<compile_context>
chip_gen: v7x
topology: tpu7x:2x2x1
jax: 0.10.2.dev20260603
libtpu: 0.0.44.dev20260713+nightly
codegen_flags: <defaults>
</compile_context>

<pallas_src>
import functools

import jax
import jax.numpy as jnp
from jax import lax
from jax.experimental import pallas as pl
from jax.experimental.pallas import tpu as pltpu
from jax.experimental.pallas import tpu_sc as plsc

B = 16
T = 1024
N = 64
CHUNK = 128

_NC = 2
_NS = 16
_L = 16
_NW = _NC * _NS
_TOK_W = (B * T) // _NW


def _sc_gold_body(em_hbm, tags_hbm, trans_hbm, head_hbm, last_hbm, out_hbm,
                  em_v, tags_v, trans_v, head_v, last_v, acc_v, pair_v,
                  shared_v, sem):
    c = lax.axis_index("c")
    s = lax.axis_index("s")
    w = c * _NS + s
    half = w % 2
    base = w * _TOK_W

    c1 = pltpu.async_copy(em_hbm.at[pl.ds(base * N, _TOK_W * N)], em_v, sem)
    c2 = pltpu.async_copy(tags_hbm.at[pl.ds(base, _TOK_W)],
                          tags_v.at[pl.ds(_L, _TOK_W)], sem)
    c3 = pltpu.async_copy(trans_hbm, trans_v, sem)
    c4 = pltpu.async_copy(head_hbm, head_v, sem)
    c5 = pltpu.async_copy(last_hbm, last_v, sem)

    @pl.when(w > 0)
    def _():
        pltpu.sync_copy(tags_hbm.at[pl.ds(base - _L, _L)],
                        tags_v.at[pl.ds(0, _L)])

    @pl.when(w == 0)
    def _():
        tags_v[pl.ds(0, _L)] = jnp.zeros((_L,), jnp.int32)

    c1.wait()
    c2.wait()
    c3.wait()
    c4.wait()
    c5.wait()

    lane = lax.iota(jnp.int32, _L)
    is_head_worker = half == 0

    def step(k, acc):
        nxt = tags_v[pl.ds(_L + k * _L, _L)]
        prv = tags_v[pl.ds(_L - 1 + k * _L, _L)]
        ev = plsc.load_gather(em_v, [(k * _L + lane) * N + nxt])
        valid = jnp.logical_or(
            jnp.logical_or(k > 0, lane > 0), jnp.logical_not(is_head_worker))
        pidx = jnp.where(valid, prv * N + nxt, 0)
        tv = jnp.where(valid, plsc.load_gather(trans_v, [pidx]), 0.0)
        return acc + ev + tv

    acc = lax.fori_loop(0, _TOK_W // _L, step, jnp.zeros((_L,), jnp.float32))

    t0 = tags_v[pl.ds(_L, _L)]
    hv = plsc.load_gather(head_v, [t0])
    acc = acc + jnp.where(jnp.logical_and(lane == 0, is_head_worker), hv, 0.0)
    tz = tags_v[pl.ds(_TOK_W, _L)]
    lv = plsc.load_gather(last_v, [tz])
    acc = acc + jnp.where(
        jnp.logical_and(lane == _L - 1, jnp.logical_not(is_head_worker)),
        lv, 0.0)

    acc_v[...] = acc
    pltpu.sync_copy(acc_v, shared_v.at[pl.ds(s * _L, _L)])
    plsc.subcore_barrier()

    @pl.when(half == 0)
    def _():
        pltpu.sync_copy(shared_v.at[pl.ds(s * _L, 2 * _L)], pair_v)
        both = pair_v[pl.ds(0, _L)] + pair_v[pl.ds(_L, _L)]
        acc_v[...] = jnp.full((_L,), jnp.sum(both), jnp.float32)
        seq = c * (_NS // 2) + s // 2
        pltpu.sync_copy(acc_v, out_hbm.at[seq])


@functools.cache
def _sc_gold_partials():
    return pl.kernel(
        _sc_gold_body,
        mesh=plsc.VectorSubcoreMesh(core_axis_name="c", subcore_axis_name="s"),
        compiler_params=pltpu.CompilerParams(
            use_tc_tiling_on_sc=False, needs_layout_passes=False),
        out_type=jax.ShapeDtypeStruct((B, _L), jnp.float32),
        scratch_types=[
            pltpu.VMEM((_TOK_W * N,), jnp.float32),
            pltpu.VMEM((_TOK_W + _L,), jnp.int32),
            pltpu.VMEM((N * N,), jnp.float32),
            pltpu.VMEM((N,), jnp.float32),
            pltpu.VMEM((N,), jnp.float32),
            pltpu.VMEM((_L,), jnp.float32),
            pltpu.VMEM((2 * _L,), jnp.float32),
            pltpu.VMEM_SHARED((_NS * _L,), jnp.float32),
            pltpu.SemaphoreType.DMA,
        ],
    )


_K = 4
_NCHUNK = T // CHUNK


def _tc_body(emf_ref, emb_ref, trans_ref, head_ref, last_ref,
             out_ref, af_ref, sf_ref, rf_ref, ab_ref, sb_ref, rb_ref,
             exptf_ref, exptb_ref, cm_ref, mr_ref, exf_ref, exb_ref):
    g = pl.program_id(0)
    ng = pl.num_programs(0)

    @pl.when(g == 0)
    def _init():
        tr = trans_ref[...]
        cm = jnp.max(tr, axis=0, keepdims=True)
        cm_ref[...] = cm
        exptf_ref[...] = jnp.exp(tr - cm)
        mr = jnp.max(tr, axis=1, keepdims=True)
        mr_ref[...] = jnp.max(tr, axis=1).reshape(1, N)
        exptb_ref[...] = jnp.exp(tr - mr).T
        e0 = head_ref[...] + emf_ref[0]
        m0 = jnp.max(e0, axis=1, keepdims=True)
        af_ref[...] = jnp.exp(e0 - m0)
        sf_ref[...] = m0
        rf_ref[...] = jnp.ones((B, 1), jnp.float32)
        d0 = last_ref[...] - mr_ref[...]
        ab_ref[...] = jnp.broadcast_to(jnp.exp(d0), (B, N))
        sb_ref[...] = jnp.zeros((B, 1), jnp.float32)
        rb_ref[...] = jnp.ones((B, 1), jnp.float32)

    exptf = exptf_ref[...]
    exptb = exptb_ref[...]
    exf_ref[...] = jnp.exp(emf_ref[...] + cm_ref[...][None])
    exb_ref[...] = jnp.exp(emb_ref[...] + mr_ref[...][None])

    def mmf(alpha, i):
        u = lax.dot_general(alpha, exptf, (((1,), (0,)), ((), ())),
                            preferred_element_type=jnp.float32)
        return u * exf_ref[pl.ds(i, 1)].reshape(B, N)

    def mmb(beta, i):
        w = beta * exb_ref[pl.ds(i, 1)].reshape(B, N)
        return lax.dot_general(w, exptb, (((1,), (0,)), ((), ())),
                               preferred_element_type=jnp.float32)

    def renorm(x, r, scale):
        x = x * r
        m = jnp.maximum(jnp.max(x, axis=1, keepdims=True), 1e-30)
        return x, 1.0 / m, scale + jnp.log(m)

    def block(i, carry):
        af, rf, sf, ab, rb, sb = carry
        t0 = i * _K
        for j in range(_K):
            af = mmf(af, t0 + j)
            ab = mmb(ab, CHUNK - 1 - (t0 + j))
        af, rf, sf = renorm(af, rf, sf)
        ab, rb, sb = renorm(ab, rb, sb)
        return af, rf, sf, ab, rb, sb

    carry0 = (af_ref[...], rf_ref[...], sf_ref[...],
              ab_ref[...], rb_ref[...], sb_ref[...])

    def finish(carry):
        af, rf, sf, ab, rb, sb = carry
        af_ref[...], rf_ref[...], sf_ref[...] = af, rf, sf
        ab_ref[...], rb_ref[...], sb_ref[...] = ab, rb, sb

    @pl.when(g == 0)
    def _scan_first():
        af, rf, sf, ab, rb, sb = carry0
        for j in range(_K):
            if j > 0:
                af = mmf(af, j)
            ab = mmb(ab, CHUNK - 1 - j)
        af, rf, sf = renorm(af, rf, sf)
        ab, rb, sb = renorm(ab, rb, sb)
        finish(lax.fori_loop(1, CHUNK // _K, block,
                             (af, rf, sf, ab, rb, sb)))

    @pl.when(g > 0)
    def _scan_rest():
        finish(lax.fori_loop(0, CHUNK // _K, block, carry0))

    @pl.when(g == ng - 1)
    def _finish():
        alpha = af_ref[...] * rf_ref[...]
        beta = ab_ref[...] * rb_ref[...] * jnp.exp(mr_ref[...])
        z = jnp.sum(alpha * beta, axis=1)
        log_z = sf_ref[...][:, 0] + sb_ref[...][:, 0] + jnp.log(z)
        out_ref[...] = log_z[:, None]


def _tc_forward(em_t, trans, head, last):
    grid = (_NCHUNK // 2,)
    return pl.pallas_call(
        _tc_body,
        grid=grid,
        in_specs=[
            pl.BlockSpec((CHUNK, B, N), lambda g: (g, 0, 0)),
            pl.BlockSpec((CHUNK, B, N), lambda g: (_NCHUNK - 1 - g, 0, 0)),
            pl.BlockSpec((N, N), lambda g: (0, 0)),
            pl.BlockSpec((1, N), lambda g: (0, 0)),
            pl.BlockSpec((1, N), lambda g: (0, 0)),
        ],
        out_specs=pl.BlockSpec((B, 1), lambda g: (0, 0)),
        out_shape=jax.ShapeDtypeStruct((B, 1), jnp.float32),
        scratch_shapes=[
            pltpu.VMEM((B, N), jnp.float32),
            pltpu.VMEM((B, 1), jnp.float32),
            pltpu.VMEM((B, 1), jnp.float32),
            pltpu.VMEM((B, N), jnp.float32),
            pltpu.VMEM((B, 1), jnp.float32),
            pltpu.VMEM((B, 1), jnp.float32),
            pltpu.VMEM((N, N), jnp.float32),
            pltpu.VMEM((N, N), jnp.float32),
            pltpu.VMEM((1, N), jnp.float32),
            pltpu.VMEM((1, N), jnp.float32),
            pltpu.VMEM((CHUNK, B, N), jnp.float32),
            pltpu.VMEM((CHUNK, B, N), jnp.float32),
        ],
    )(em_t, em_t, trans, head, last)


def kernel(emissions, tags, token_sizes, transitions, head_transitions,
           last_transitions):
    del token_sizes
    em_flat = emissions.reshape(B * T * N)
    tags_flat = tags.reshape(B * T)
    trans2 = transitions.reshape(N, N)
    head = head_transitions.reshape(1, N)
    last = last_transitions.reshape(1, N)

    scores = _sc_gold_partials()(
        em_flat, tags_flat, transitions.reshape(N * N),
        head_transitions.reshape(N), last_transitions.reshape(N))

    em_t = emissions.reshape(B, T, N).transpose(1, 0, 2)
    log_z = _tc_forward(em_t, trans2, head, last)
    return scores[:, :1] - log_z

# --- scband reference (transcript-rebuilt; emitter-appended) ---
"""Pipeline reference for scband-crf-decoder-abc-69243462746337 (READ-ONLY COPY).

The authoritative reference and input builder live on the scoring server;
editing this copy changes nothing except your own understanding.
"""

import jax, jax.numpy as jnp
import numpy as np
from jax.scipy.special import logsumexp

B = 16
T = 1024  # total_tokens / batch = 16384 / 16 (equal-length ragged layout)
C = 1     # num_conjugates
N = 64    # num_tags


def setup_inputs(seed: int = 0) -> dict:
    key = jax.random.key(seed)
    k1, k2, k3, k4, k5 = jax.random.split(key, 5)
    emissions = jax.random.normal(k1, (B * T, C, N), dtype=jnp.float32)
    tags = jax.random.randint(k2, (B * T, C), 0, N)
    token_sizes = jnp.full((B,), T, dtype=jnp.int32)
    transitions = jax.random.normal(k3, (C, N, N), dtype=jnp.float32) * 0.1
    head_transitions = jax.random.normal(k4, (C, N), dtype=jnp.float32) * 0.1
    last_transitions = jax.random.normal(k5, (C, N), dtype=jnp.float32) * 0.1
    return {
        'emissions': emissions,
        'tags': tags,
        'token_sizes': token_sizes,
        'transitions': transitions,
        'head_transitions': head_transitions,
        'last_transitions': last_transitions,
    }


def reference(emissions, tags, token_sizes, transitions, head_transitions, last_transitions):
    # CattedSequence with equal token_sizes -> reshape flat tokens to [B, T, C, N]
    em = emissions.reshape(B, T, C, N)
    tg = tags.reshape(B, T, C)

    # ---- gold path score: head + sum(emission) + sum(transition) + last ----
    em_score = jnp.take_along_axis(em, tg[..., None], axis=-1)[..., 0].sum(axis=1)  # [B, C]
    c_idx = jnp.arange(C)
    head_score = head_transitions[c_idx[None, :], tg[:, 0, :]]              # [B, C]
    last_score = last_transitions[c_idx[None, :], tg[:, T - 1, :]]          # [B, C]
    prev_t = tg[:, :-1, :]
    next_t = tg[:, 1:, :]
    trans_score = transitions[c_idx[None, None, :], prev_t, next_t].sum(axis=1)  # [B, C]
    score = em_score + head_score + last_score + trans_score

    # ---- log partition via forward algorithm (scan over time) ----
    alpha0 = head_transitions[None] + em[:, 0]  # [B, C, N]

    def step(alpha, e_t):
        # alpha: [B, C, N], e_t: [B, C, N]
        nxt = logsumexp(alpha[..., :, None] + transitions[None], axis=-2) + e_t
        return nxt, None

    em_rest = jnp.moveaxis(em[:, 1:], 1, 0)  # [T-1, B, C, N]
    alpha_T, _ = jax.lax.scan(step, alpha0, em_rest)
    log_z = logsumexp(alpha_T + last_transitions[None], axis=-1)  # [B, C]

    # dist.log_prob(tags) = score - log_Z
    return score - log_z

if __name__ == "__main__":
    import jax
    _d = setup_inputs()
    print(jax.jit(kernel)(*tuple(_d.values())))

</pallas_src>

<mosaic_0001>
#map = affine_map<(d0, d1) -> (0)>
#map1 = affine_map<(d0, d1) -> (0, 0)>
module attributes {stable_mosaic.version = 14 : i64} {
  func.func @_sc_gold_body(%arg0: i32, %arg1: i32, %arg2: memref<1048576xf32, #tpu.memory_space<hbm>>, %arg3: memref<16384xi32, #tpu.memory_space<hbm>>, %arg4: memref<4096xf32, #tpu.memory_space<hbm>>, %arg5: memref<64xf32, #tpu.memory_space<hbm>>, %arg6: memref<64xf32, #tpu.memory_space<hbm>>, %arg7: memref<16x16xf32, #tpu.memory_space<hbm>>, %arg8: memref<32768xf32, #tpu.memory_space<vmem>>, %arg9: memref<528xi32, #tpu.memory_space<vmem>>, %arg10: memref<4096xf32, #tpu.memory_space<vmem>>, %arg11: memref<64xf32, #tpu.memory_space<vmem>>, %arg12: memref<64xf32, #tpu.memory_space<vmem>>, %arg13: memref<16xf32, #tpu.memory_space<vmem>>, %arg14: memref<32xf32, #tpu.memory_space<vmem>>, %arg15: memref<256xf32, #tpu.memory_space<vmem_shared>>, %arg16: memref<!tpu.dma_semaphore, #tpu.memory_space<semaphore_mem>>) attributes {dimension_semantics = [#tpu.dimension_semantics<core_parallel>, #tpu.dimension_semantics<subcore_parallel>], iteration_bounds = array<i64: 2, 16>, scalar_prefetch = 0 : i64, scratch_operands = 9 : i64, tpu.core_type = #tpu.core_type<sc_vector_subcore>, window_params = [{transform_indices = #map}, {transform_indices = #map}, {transform_indices = #map}, {transform_indices = #map}, {transform_indices = #map}, {transform_indices = #map1}]} {
    %mul3A = arith.constant 16 : i32
    %mul3A_0 = arith.muli %arg0, %mul3A : i32
    %add3A = arith.addi %mul3A_0, %arg1 : i32
    %jit3A = arith.constant 2 : i32
    %eq3A = arith.constant 0 : i32
    %eq3A_1 = arith.cmpi eq, %jit3A, %eq3A : i32
    %jit3A_2 = arith.constant 1 : i32
    %select_n3A = arith.select %eq3A_1, %jit3A_2, %jit3A : i32
    %rem3A = arith.remsi %add3A, %select_n3A : i32
    %ne3A = arith.constant 0 : i32
    %ne3A_3 = arith.cmpi ne, %rem3A, %ne3A : i32
    %lt3A = arith.constant 0 : i32
    %lt3A_4 = arith.cmpi slt, %rem3A, %lt3A : i32
    %lt3A_5 = arith.constant 0 : i32
    %lt3A_6 = arith.cmpi slt, %select_n3A, %lt3A_5 : i32
    %ne3A_7 = arith.xori %lt3A_4, %lt3A_6 : i1
    %and3A = arith.andi %ne3A_7, %ne3A_3 : i1
    %add3A_8 = arith.addi %rem3A, %select_n3A : i32
    %select_n3A_9 = arith.select %and3A, %add3A_8, %rem3A : i32
    %mul3A_10 = arith.constant 512 : i32
    %mul3A_11 = arith.muli %add3A, %mul3A_10 : i32
    %mul3A_12 = arith.constant 64 : i32
    %mul3A_13 = arith.muli %mul3A_11, %mul3A_12 : i32
    %dma_start3A = tpu.memref_slice %arg2[%mul3A_13] : memref<1048576xf32, #tpu.memory_space<hbm>> -> memref<32768xf32, #tpu.memory_space<hbm>>
    %dma_start3A_14 = tpu.memref_slice %arg2[%mul3A_13] : memref<1048576xf32, #tpu.memory_space<hbm>> -> memref<32768xf32, #tpu.memory_space<hbm>>
    tpu.enqueue_dma source(%dma_start3A_14 : memref<32768xf32, #tpu.memory_space<hbm>>) target(%arg8 : memref<32768xf32, #tpu.memory_space<vmem>>) target_semaphore(%arg16 : memref<!tpu.dma_semaphore, #tpu.memory_space<semaphore_mem>>)
    %dma_start3A_15 = arith.constant 16 : i32
    %dma_start3A_16 = tpu.memref_slice %arg9[%dma_start3A_15] : memref<528xi32, #tpu.memory_space<vmem>> -> memref<512xi32, #tpu.memory_space<vmem>>
    %dma_start3A_17 = tpu.memref_slice %arg3[%mul3A_11] : memref<16384xi32, #tpu.memory_space<hbm>> -> memref<512xi32, #tpu.memory_space<hbm>>
    %dma_start3A_18 = arith.constant 16 : i32
    %dma_start3A_19 = tpu.memref_slice %arg9[%dma_start3A_18] : memref<528xi32, #tpu.memory_space<vmem>> -> memref<512xi32, #tpu.memory_space<vmem>>
    %dma_start3A_20 = tpu.memref_slice %arg3[%mul3A_11] : memref<16384xi32, #tpu.memory_space<hbm>> -> memref<512xi32, #tpu.memory_space<hbm>>
    tpu.enqueue_dma source(%dma_start3A_20 : memref<512xi32, #tpu.memory_space<hbm>>) target(%dma_start3A_19 : memref<512xi32, #tpu.memory_space<vmem>>) target_semaphore(%arg16 : memref<!tpu.dma_semaphore, #tpu.memory_space<semaphore_mem>>)
    tpu.enqueue_dma source(%arg4 : memref<4096xf32, #tpu.memory_space<hbm>>) target(%arg10 : memref<4096xf32, #tpu.memory_space<vmem>>) target_semaphore(%arg16 : memref<!tpu.dma_semaphore, #tpu.memory_space<semaphore_mem>>)
    tpu.enqueue_dma source(%arg5 : memref<64xf32, #tpu.memory_space<hbm>>) target(%arg11 : memref<64xf32, #tpu.memory_space<vmem>>) target_semaphore(%arg16 : memref<!tpu.dma_semaphore, #tpu.memory_space<semaphore_mem>>)
    tpu.enqueue_dma source(%arg6 : memref<64xf32, #tpu.memory_space<hbm>>) target(%arg12 : memref<64xf32, #tpu.memory_space<vmem>>) target_semaphore(%arg16 : memref<!tpu.dma_semaphore, #tpu.memory_space<semaphore_mem>>)
    %gt3A = arith.constant 0 : i32
    %gt3A_21 = arith.cmpi sgt, %add3A, %gt3A : i32
    %convert_element_type3A = arith.extui %gt3A_21 : i1 to i32
    %cond3A = arith.constant 0 : i32
    %cond3A_22 = arith.cmpi ne, %convert_element_type3A, %cond3A : i32
    scf.if %cond3A_22 {
      %sub3A = arith.constant 16 : i32
      %sub3A_74 = arith.subi %mul3A_11, %sub3A : i32
      "tpu.region"() ({
        %run_scoped3A = tpu.sem_alloc : memref<!tpu.dma_semaphore, #tpu.memory_space<semaphore_mem>>
        %dma_start3A_75 = arith.constant 0 : i32
        %dma_start3A_76 = tpu.memref_slice %arg9[%dma_start3A_75] : memref<528xi32, #tpu.memory_space<vmem>> -> memref<16xi32, #tpu.memory_space<vmem>>
        %dma_start3A_77 = tpu.memref_slice %arg3[%sub3A_74] : memref<16384xi32, #tpu.memory_space<hbm>> -> memref<16xi32, #tpu.memory_space<hbm>>
        %dma_start3A_78 = arith.constant 0 : i32
        %dma_start3A_79 = tpu.memref_slice %arg9[%dma_start3A_78] : memref<528xi32, #tpu.memory_space<vmem>> -> memref<16xi32, #tpu.memory_space<vmem>>
        %dma_start3A_80 = tpu.memref_slice %arg3[%sub3A_74] : memref<16384xi32, #tpu.memory_space<hbm>> -> memref<16xi32, #tpu.memory_space<hbm>>
        tpu.enqueue_dma source(%dma_start3A_80 : memref<16xi32, #tpu.memory_space<hbm>>) target(%dma_start3A_79 : memref<16xi32, #tpu.memory_space<vmem>>) target_semaphore(%run_scoped3A : memref<!tpu.dma_semaphore, #tpu.memory_space<semaphore_mem>>)
        %dma_wait3A_81 = arith.constant 0 : i32
        %dma_wait3A_82 = tpu.memref_slice %arg9[%dma_wait3A_81] : memref<528xi32, #tpu.memory_space<vmem>> -> memref<16xi32, #tpu.memory_space<vmem>>
        %dma_wait3A_83 = tpu.memref_slice %arg3[%sub3A_74] : memref<16384xi32, #tpu.memory_space<hbm>> -> memref<16xi32, #tpu.memory_space<hbm>>
        %dma_wait3A_84 = arith.constant 0 : i32
        %dma_wait3A_85 = tpu.memref_slice %arg9[%dma_wait3A_84] : memref<528xi32, #tpu.memory_space<vmem>> -> memref<16xi32, #tpu.memory_space<vmem>>
        %dma_wait3A_86 = tpu.memref_slice %arg3[%sub3A_74] : memref<16384xi32, #tpu.memory_space<hbm>> -> memref<16xi32, #tpu.memory_space<hbm>>
        tpu.wait_dma2 semaphore(%run_scoped3A : memref<!tpu.dma_semaphore, #tpu.memory_space<semaphore_mem>>) src(%dma_wait3A_86 : memref<16xi32, #tpu.memory_space<hbm>>) dst(%dma_wait3A_85 : memref<16xi32, #tpu.memory_space<vmem>>)
        tpu.yield
      }) : () -> ()
    } else {
    }
    %eq3A_23 = arith.constant 0 : i32
    %eq3A_24 = arith.cmpi eq, %add3A, %eq3A_23 : i32
    %convert_element_type3A_25 = arith.extui %eq3A_24 : i1 to i32
    %cond3A_26 = arith.constant 0 : i32
    %cond3A_27 = arith.cmpi ne, %convert_element_type3A_25, %cond3A_26 : i32
    scf.if %cond3A_27 {
      %broadcast_in_dim3A_74 = arith.constant 0 : i32
      %broadcast_in_dim3A_75 = vector.broadcast %broadcast_in_dim3A_74 : i32 to vector<16xi32>
      %swap3A_76 = arith.constant 0 : index
      %swap3A_77 = tpu.vector_load %arg9[%swap3A_76] {strides = array<i32>} : memref<528xi32, #tpu.memory_space<vmem>>, vector<16xi32>,
      tpu.vector_store %arg9[%swap3A_76], %broadcast_in_dim3A_75 {strides = array<i32>} : memref<528xi32, #tpu.memory_space<vmem>>, vector<16xi32>,
    } else {
    }
    %dma_wait3A = tpu.memref_slice %arg2[%mul3A_13] : memref<1048576xf32, #tpu.memory_space<hbm>> -> memref<32768xf32, #tpu.memory_space<hbm>>
    %dma_wait3A_28 = tpu.memref_slice %arg2[%mul3A_13] : memref<1048576xf32, #tpu.memory_space<hbm>> -> memref<32768xf32, #tpu.memory_space<hbm>>
    tpu.wait_dma2 semaphore(%arg16 : memref<!tpu.dma_semaphore, #tpu.memory_space<semaphore_mem>>) src(%dma_wait3A_28 : memref<32768xf32, #tpu.memory_space<hbm>>) dst(%arg8 : memref<32768xf32, #tpu.memory_space<vmem>>)
    %dma_wait3A_29 = arith.constant 16 : i32
    %dma_wait3A_30 = tpu.memref_slice %arg9[%dma_wait3A_29] : memref<528xi32, #tpu.memory_space<vmem>> -> memref<512xi32, #tpu.memory_space<vmem>>
    %dma_wait3A_31 = tpu.memref_slice %arg3[%mul3A_11] : memref<16384xi32, #tpu.memory_space<hbm>> -> memref<512xi32, #tpu.memory_space<hbm>>
    %dma_wait3A_32 = arith.constant 16 : i32
    %dma_wait3A_33 = tpu.memref_slice %arg9[%dma_wait3A_32] : memref<528xi32, #tpu.memory_space<vmem>> -> memref<512xi32, #tpu.memory_space<vmem>>
    %dma_wait3A_34 = tpu.memref_slice %arg3[%mul3A_11] : memref<16384xi32, #tpu.memory_space<hbm>> -> memref<512xi32, #tpu.memory_space<hbm>>
    tpu.wait_dma2 semaphore(%arg16 : memref<!tpu.dma_semaphore, #tpu.memory_space<semaphore_mem>>) src(%dma_wait3A_34 : memref<512xi32, #tpu.memory_space<hbm>>) dst(%dma_wait3A_33 : memref<512xi32, #tpu.memory_space<vmem>>)
    tpu.wait_dma2 semaphore(%arg16 : memref<!tpu.dma_semaphore, #tpu.memory_space<semaphore_mem>>) src(%arg4 : memref<4096xf32, #tpu.memory_space<hbm>>) dst(%arg10 : memref<4096xf32, #tpu.memory_space<vmem>>)
    tpu.wait_dma2 semaphore(%arg16 : memref<!tpu.dma_semaphore, #tpu.memory_space<semaphore_mem>>) src(%arg5 : memref<64xf32, #tpu.memory_space<hbm>>) dst(%arg11 : memref<64xf32, #tpu.memory_space<vmem>>)
    tpu.wait_dma2 semaphore(%arg16 : memref<!tpu.dma_semaphore, #tpu.memory_space<semaphore_mem>>) src(%arg6 : memref<64xf32, #tpu.memory_space<hbm>>) dst(%arg12 : memref<64xf32, #tpu.memory_space<vmem>>)
    %iota3A = tpu.iota {dimensions = array<i32: 0>} : vector<16xi32>
    %eq3A_35 = arith.constant 0 : i32
    %eq3A_36 = arith.cmpi eq, %select_n3A_9, %eq3A_35 : i32
    %broadcast_in_dim3A = arith.constant 0.000000e+00 : f32
    %broadcast_in_dim3A_37 = vector.broadcast %broadcast_in_dim3A : f32 to vector<16xf32>
    %scan3A = arith.constant 0 : i32
    %scan3A_38 = arith.constant 32 : i32
    %scan3A_39 = arith.addi %scan3A, %scan3A_38 : i32
    %scan3A_40 = arith.constant 1 : i32
    %scan3A_41 = scf.for %scan3A_74 = %scan3A to %scan3A_39 step %scan3A_40 iter_args(%scan3A_75 = %broadcast_in_dim3A_37) -> (vector<16xf32>)  : i32 {
      %mul3A_76 = arith.constant 16 : i32
      %mul3A_77 = arith.muli %scan3A_74, %mul3A_76 : i32
      %add3A_78 = arith.constant 16 : i32
      %add3A_79 = arith.addi %add3A_78, %mul3A_77 : i32
      %get3A_80 = arith.index_cast %add3A_79 : i32 to index
      %get3A_81 = tpu.vector_load %arg9[%get3A_80] {strides = array<i32>} : memref<528xi32, #tpu.memory_space<vmem>>, vector<16xi32>,
      %mul3A_82 = arith.constant 16 : i32
      %mul3A_83 = arith.muli %scan3A_74, %mul3A_82 : i32
      %add3A_84 = arith.constant 15 : i32
      %add3A_85 = arith.addi %add3A_84, %mul3A_83 : i32
      %get3A_86 = arith.index_cast %add3A_85 : i32 to index
      %get3A_87 = tpu.vector_load %arg9[%get3A_86] {strides = array<i32>} : memref<528xi32, #tpu.memory_space<vmem>>, vector<16xi32>,
      %mul3A_88 = arith.constant 16 : i32
      %mul3A_89 = arith.muli %scan3A_74, %mul3A_88 : i32
      %add3A_90 = vector.broadcast %mul3A_89 : i32 to vector<16xi32>
      %add3A_91 = arith.addi %add3A_90, %iota3A : vector<16xi32>
      %mul3A_92 = arith.constant 64 : i32
      %mul3A_93 = vector.broadcast %mul3A_92 : i32 to vector<16xi32>
      %mul3A_94 = arith.muli %add3A_91, %mul3A_93 : vector<16xi32>
      %add3A_95 = arith.addi %mul3A_94, %get3A_81 : vector<16xi32>
      %gather3A_96 = tpu.vector_load_idx %arg8[%add3A_95] : memref<32768xf32, #tpu.memory_space<vmem>>[vector<16xi32>], vector<16xf32>,
      %gt3A_97 = arith.constant 0 : i32
      %gt3A_98 = arith.cmpi sgt, %scan3A_74, %gt3A_97 : i32
      %gt3A_99 = arith.constant 0 : i32
      %gt3A_100 = vector.broadcast %gt3A_99 : i32 to vector<16xi32>
      %gt3A_101 = arith.cmpi sgt, %iota3A, %gt3A_100 : vector<16xi32>
      %or3A = vector.broadcast %gt3A_98 : i1 to vector<16xi1>
      %or3A_102 = arith.ori %or3A, %gt3A_101 : vector<16xi1>
      %not3A_103 = arith.constant true
      %not3A_104 = arith.xori %eq3A_36, %not3A_103 : i1
      %or3A_105 = vector.broadcast %not3A_104 : i1 to vector<16xi1>
      %or3A_106 = arith.ori %or3A_102, %or3A_105 : vector<16xi1>
      %mul3A_107 = arith.constant 64 : i32
      %mul3A_108 = vector.broadcast %mul3A_107 : i32 to vector<16xi32>
      %mul3A_109 = arith.muli %get3A_87, %mul3A_108 : vector<16xi32>
      %add3A_110 = arith.addi %mul3A_109, %get3A_81 : vector<16xi32>
      %jit3A_111 = arith.constant 0 : i32
      %broadcast_in_dim3A_112 = vector.broadcast %jit3A_111 : i32 to vector<16xi32>
      %select_n3A_113 = arith.select %or3A_106, %add3A_110, %broadcast_in_dim3A_112 : vector<16xi1>, vector<16xi32>
      %gather3A_114 = tpu.vector_load_idx %arg10[%select_n3A_113] : memref<4096xf32, #tpu.memory_space<vmem>>[vector<16xi32>], vector<16xf32>,
      %jit3A_115 = arith.constant 0.000000e+00 : f32
      %broadcast_in_dim3A_116 = vector.broadcast %jit3A_115 : f32 to vector<16xf32>
      %select_n3A_117 = arith.select %or3A_106, %gather3A_114, %broadcast_in_dim3A_116 : vector<16xi1>, vector<16xf32>
      %add3A_118 = arith.addf %scan3A_75, %gather3A_96 : vector<16xf32>
      %add3A_119 = arith.addf %add3A_118, %select_n3A_117 : vector<16xf32>
      scf.yield %add3A_119 : vector<16xf32>
    }
    %scan3A_42 = arith.constant 32 : i32
    %get3A = arith.constant 16 : index
    %get3A_43 = tpu.vector_load %arg9[%get3A] {strides = array<i32>} : memref<528xi32, #tpu.memory_space<vmem>>, vector<16xi32>,
    %gather3A = tpu.vector_load_idx %arg11[%get3A_43] : memref<64xf32, #tpu.memory_space<vmem>>[vector<16xi32>], vector<16xf32>,
    %eq3A_44 = arith.constant 0 : i32
    %eq3A_45 = vector.broadcast %eq3A_44 : i32 to vector<16xi32>
    %eq3A_46 = arith.cmpi eq, %iota3A, %eq3A_45 : vector<16xi32>
    %and3A_47 = vector.broadcast %eq3A_36 : i1 to vector<16xi1>
    %and3A_48 = arith.andi %eq3A_46, %and3A_47 : vector<16xi1>
    %jit3A_49 = arith.constant 0.000000e+00 : f32
    %broadcast_in_dim3A_50 = vector.broadcast %jit3A_49 : f32 to vector<16xf32>
    %select_n3A_51 = arith.select %and3A_48, %gather3A, %broadcast_in_dim3A_50 : vector<16xi1>, vector<16xf32>
    %add3A_52 = arith.addf %scan3A_41, %select_n3A_51 : vector<16xf32>
    %get3A_53 = arith.constant 512 : index
    %get3A_54 = tpu.vector_load %arg9[%get3A_53] {strides = array<i32>} : memref<528xi32, #tpu.memory_space<vmem>>, vector<16xi32>,
    %gather3A_55 = tpu.vector_load_idx %arg12[%get3A_54] : memref<64xf32, #tpu.memory_space<vmem>>[vector<16xi32>], vector<16xf32>,
    %eq3A_56 = arith.constant 15 : i32
    %eq3A_57 = vector.broadcast %eq3A_56 : i32 to vector<16xi32>
    %eq3A_58 = arith.cmpi eq, %iota3A, %eq3A_57 : vector<16xi32>
    %not3A = arith.constant true
    %not3A_59 = arith.xori %eq3A_36, %not3A : i1
    %and3A_60 = vector.broadcast %not3A_59 : i1 to vector<16xi1>
    %and3A_61 = arith.andi %eq3A_58, %and3A_60 : vector<16xi1>
    %jit3A_62 = arith.constant 0.000000e+00 : f32
    %broadcast_in_dim3A_63 = vector.broadcast %jit3A_62 : f32 to vector<16xf32>
    %select_n3A_64 = arith.select %and3A_61, %gather3A_55, %broadcast_in_dim3A_63 : vector<16xi1>, vector<16xf32>
    %add3A_65 = arith.addf %add3A_52, %select_n3A_64 : vector<16xf32>
    %swap3A = arith.constant 0 : index
    %swap3A_66 = tpu.vector_load %arg13[%swap3A] {strides = array<i32>} : memref<16xf32, #tpu.memory_space<vmem>>, vector<16xf32>,
    tpu.vector_store %arg13[%swap3A], %add3A_65 {strides = array<i32>} : memref<16xf32, #tpu.memory_space<vmem>>, vector<16xf32>,
    %mul3A_67 = arith.constant 16 : i32
    %mul3A_68 = arith.muli %arg1, %mul3A_67 : i32
    "tpu.region"() ({
      %run_scoped3A = tpu.sem_alloc : memref<!tpu.dma_semaphore, #tpu.memory_space<semaphore_mem>>
      %dma_start3A_74 = tpu.memref_slice %arg15[%mul3A_68] : memref<256xf32, #tpu.memory_space<vmem_shared>> -> memref<16xf32, #tpu.memory_space<vmem_shared>>
      %dma_start3A_75 = tpu.memref_slice %arg15[%mul3A_68] : memref<256xf32, #tpu.memory_space<vmem_shared>> -> memref<16xf32, #tpu.memory_space<vmem_shared>>
      tpu.enqueue_dma source(%arg13 : memref<16xf32, #tpu.memory_space<vmem>>) target(%dma_start3A_75 : memref<16xf32, #tpu.memory_space<vmem_shared>>) target_semaphore(%run_scoped3A : memref<!tpu.dma_semaphore, #tpu.memory_space<semaphore_mem>>)
      %dma_wait3A_76 = tpu.memref_slice %arg15[%mul3A_68] : memref<256xf32, #tpu.memory_space<vmem_shared>> -> memref<16xf32, #tpu.memory_space<vmem_shared>>
      %dma_wait3A_77 = tpu.memref_slice %arg15[%mul3A_68] : memref<256xf32, #tpu.memory_space<vmem_shared>> -> memref<16xf32, #tpu.memory_space<vmem_shared>>
      tpu.wait_dma2 semaphore(%run_scoped3A : memref<!tpu.dma_semaphore, #tpu.memory_space<semaphore_mem>>) src(%arg13 : memref<16xf32, #tpu.memory_space<vmem>>) dst(%dma_wait3A_77 : memref<16xf32, #tpu.memory_space<vmem_shared>>)
      tpu.yield
    }) : () -> ()
    %barrier3A = arith.constant 0 : index
    tpu.barrier barrier_id(%barrier3A)
    %eq3A_69 = arith.constant 0 : i32
    %eq3A_70 = arith.cmpi eq, %select_n3A_9, %eq3A_69 : i32
    %convert_element_type3A_71 = arith.extui %eq3A_70 : i1 to i32
    %cond3A_72 = arith.constant 0 : i32
    %cond3A_73 = arith.cmpi ne, %convert_element_type3A_71, %cond3A_72 : i32
    scf.if %cond3A_73 {
      %mul3A_74 = arith.constant 16 : i32
      %mul3A_75 = arith.muli %arg1, %mul3A_74 : i32
      "tpu.region"() ({
        %run_scoped3A = tpu.sem_alloc : memref<!tpu.dma_semaphore, #tpu.memory_space<semaphore_mem>>
        %dma_start3A_111 = tpu.memref_slice %arg15[%mul3A_75] : memref<256xf32, #tpu.memory_space<vmem_shared>> -> memref<32xf32, #tpu.memory_space<vmem_shared>>
        %dma_start3A_112 = tpu.memref_slice %arg15[%mul3A_75] : memref<256xf32, #tpu.memory_space<vmem_shared>> -> memref<32xf32, #tpu.memory_space<vmem_shared>>
        tpu.enqueue_dma source(%dma_start3A_112 : memref<32xf32, #tpu.memory_space<vmem_shared>>) target(%arg14 : memref<32xf32, #tpu.memory_space<vmem>>) target_semaphore(%run_scoped3A : memref<!tpu.dma_semaphore, #tpu.memory_space<semaphore_mem>>)
        %dma_wait3A_113 = tpu.memref_slice %arg15[%mul3A_75] : memref<256xf32, #tpu.memory_space<vmem_shared>> -> memref<32xf32, #tpu.memory_space<vmem_shared>>
        %dma_wait3A_114 = tpu.memref_slice %arg15[%mul3A_75] : memref<256xf32, #tpu.memory_space<vmem_shared>> -> memref<32xf32, #tpu.memory_space<vmem_shared>>
        tpu.wait_dma2 semaphore(%run_scoped3A : memref<!tpu.dma_semaphore, #tpu.memory_space<semaphore_mem>>) src(%dma_wait3A_114 : memref<32xf32, #tpu.memory_space<vmem_shared>>) dst(%arg14 : memref<32xf32, #tpu.memory_space<vmem>>)
        tpu.yield
      }) : () -> ()
      %get3A_76 = arith.constant 0 : index
      %get3A_77 = tpu.vector_load %arg14[%get3A_76] {strides = array<i32>} : memref<32xf32, #tpu.memory_space<vmem>>, vector<16xf32>,
      %get3A_78 = arith.constant 16 : index
      %get3A_79 = tpu.vector_load %arg14[%get3A_78] {strides = array<i32>} : memref<32xf32, #tpu.memory_space<vmem>>, vector<16xf32>,
      %add3A_80 = arith.addf %get3A_77, %get3A_79 : vector<16xf32>
      %reduce_sum3A = arith.constant true
      %reduce_sum3A_81 = vector.broadcast %reduce_sum3A : i1 to vector<16xi1>
      %reduce_sum3A_82 = tpu.scan <sum>, %add3A_80 masked %reduce_sum3A_81 : vector<16xf32>, vector<16xi1> -> vector<16xf32>
      %reduce_sum3A_83 = vector.extract %reduce_sum3A_82[15] : f32 from vector<16xf32>
      %broadcast_in_dim3A_84 = vector.broadcast %reduce_sum3A_83 : f32 to vector<16xf32>
      %swap3A_85 = arith.constant 0 : index
      %swap3A_86 = tpu.vector_load %arg13[%swap3A_85] {strides = array<i32>} : memref<16xf32, #tpu.memory_space<vmem>>, vector<16xf32>,
      tpu.vector_store %arg13[%swap3A_85], %broadcast_in_dim3A_84 {strides = array<i32>} : memref<16xf32, #tpu.memory_space<vmem>>, vector<16xf32>,
      %mul3A_87 = arith.constant 8 : i32
      %mul3A_88 = arith.muli %arg0, %mul3A_87 : i32
      %jit3A_89 = arith.constant 2 : i32
      %div3A = arith.divsi %arg1, %jit3A_89 : i32
      %sign3A = arith.constant 0 : i32
      %sign3A_90 = arith.cmpi sgt, %arg1, %sign3A : i32
      %sign3A_91 = arith.extui %sign3A_90 : i1 to i32
      %sign3A_92 = arith.constant 0 : i32
      %sign3A_93 = arith.cmpi slt, %arg1, %sign3A_92 : i32
      %sign3A_94 = arith.extui %sign3A_93 : i1 to i32
      %sign3A_95 = arith.subi %sign3A_91, %sign3A_94 : i32
      %sign3A_96 = arith.constant 0 : i32
      %sign3A_97 = arith.cmpi sgt, %jit3A_89, %sign3A_96 : i32
      %sign3A_98 = arith.extui %sign3A_97 : i1 to i32
      %sign3A_99 = arith.constant 0 : i32
      %sign3A_100 = arith.cmpi slt, %jit3A_89, %sign3A_99 : i32
      %sign3A_101 = arith.extui %sign3A_100 : i1 to i32
      %sign3A_102 = arith.subi %sign3A_98, %sign3A_101 : i32
      %ne3A_103 = arith.cmpi ne, %sign3A_95, %sign3A_102 : i32
      %rem3A_104 = arith.remsi %arg1, %jit3A_89 : i32
      %ne3A_105 = arith.constant 0 : i32
      %ne3A_106 = arith.cmpi ne, %rem3A_104, %ne3A_105 : i32
      %and3A_107 = arith.andi %ne3A_103, %ne3A_106 : i1
      %sub3A = arith.constant 1 : i32
      %sub3A_108 = arith.subi %div3A, %sub3A : i32
      %select_n3A_109 = arith.select %and3A_107, %sub3A_108, %div3A : i32
      %add3A_110 = arith.addi %mul3A_88, %select_n3A_109 : i32
      "tpu.region"() ({
        %run_scoped3A = tpu.sem_alloc : memref<!tpu.dma_semaphore, #tpu.memory_space<semaphore_mem>>
        %dma_start3A_111 = arith.constant 0 : i32
        %dma_start3A_112 = tpu.memref_slice %arg7[%add3A_110, %dma_start3A_111] : memref<16x16xf32, #tpu.memory_space<hbm>> -> memref<1x16xf32, #tpu.memory_space<hbm>>
        %dma_start3A_113 = tpu.memref_squeeze %dma_start3A_112 : memref<1x16xf32, #tpu.memory_space<hbm>> -> memref<16xf32, #tpu.memory_space<hbm>>
        %dma_start3A_114 = arith.constant 0 : i32
        %dma_start3A_115 = tpu.memref_slice %arg7[%add3A_110, %dma_start3A_114] : memref<16x16xf32, #tpu.memory_space<hbm>> -> memref<1x16xf32, #tpu.memory_space<hbm>>
        %dma_start3A_116 = tpu.memref_squeeze %dma_start3A_115 : memref<1x16xf32, #tpu.memory_space<hbm>> -> memref<16xf32, #tpu.memory_space<hbm>>
        tpu.enqueue_dma source(%arg13 : memref<16xf32, #tpu.memory_space<vmem>>) target(%dma_start3A_116 : memref<16xf32, #tpu.memory_space<hbm>>) target_semaphore(%run_scoped3A : memref<!tpu.dma_semaphore, #tpu.memory_space<semaphore_mem>>)
        %dma_wait3A_117 = arith.constant 0 : i32
        %dma_wait3A_118 = tpu.memref_slice %arg7[%add3A_110, %dma_wait3A_117] : memref<16x16xf32, #tpu.memory_space<hbm>> -> memref<1x16xf32, #tpu.memory_space<hbm>>
        %dma_wait3A_119 = tpu.memref_squeeze %dma_wait3A_118 : memref<1x16xf32, #tpu.memory_space<hbm>> -> memref<16xf32, #tpu.memory_space<hbm>>
        %dma_wait3A_120 = arith.constant 0 : i32
        %dma_wait3A_121 = tpu.memref_slice %arg7[%add3A_110, %dma_wait3A_120] : memref<16x16xf32, #tpu.memory_space<hbm>> -> memref<1x16xf32, #tpu.memory_space<hbm>>
        %dma_wait3A_122 = tpu.memref_squeeze %dma_wait3A_121 : memref<1x16xf32, #tpu.memory_space<hbm>> -> memref<16xf32, #tpu.memory_space<hbm>>
        tpu.wait_dma2 semaphore(%run_scoped3A : memref<!tpu.dma_semaphore, #tpu.memory_space<semaphore_mem>>) src(%arg13 : memref<16xf32, #tpu.memory_space<vmem>>) dst(%dma_wait3A_122 : memref<16xf32, #tpu.memory_space<hbm>>)
        tpu.yield
      }) : () -> ()
    } else {
    }
    return
  }
}

module attributes {stable_mosaic.version = 14 : i64} {
  func.func @_tc_body(%arg0: i32, %arg1: memref<128x16x64xf32, #tpu.memory_space<vmem>>, %arg2: memref<128x16x64xf32, #tpu.memory_space<vmem>>, %arg3: memref<64x64xf32, #tpu.memory_space<vmem>>, %arg4: memref<1x64xf32, #tpu.memory_space<vmem>>, %arg5: memref<1x64xf32, #tpu.memory_space<vmem>>, %arg6: memref<16x1xf32, #tpu.memory_space<vmem>>, %arg7: memref<16x64xf32, #tpu.memory_space<vmem>>, %arg8: memref<16x1xf32, #tpu.memory_space<vmem>>, %arg9: memref<16x1xf32, #tpu.memory_space<vmem>>, %arg10: memref<16x64xf32, #tpu.memory_space<vmem>>, %arg11: memref<16x1xf32, #tpu.memory_space<vmem>>, %arg12: memref<16x1xf32, #tpu.memory_space<vmem>>, %arg13: memref<64x64xf32, #tpu.memory_space<vmem>>, %arg14: memref<64x64xf32, #tpu.memory_space<vmem>>, %arg15: memref<1x64xf32, #tpu.memory_space<vmem>>, %arg16: memref<1x64xf32, #tpu.memory_space<vmem>>, %arg17: memref<128x16x64xf32, #tpu.memory_space<vmem>>, %arg18: memref<128x16x64xf32, #tpu.memory_space<vmem>>) attributes {dimension_semantics = [#tpu.dimension_semantics<arbitrary>], iteration_bounds = array<i64: 4>, scalar_prefetch = 0 : i64, scratch_operands = 12 : i64, tpu.core_type = #tpu.core_type<tc>, window_params = [{transform_indices = @transform_0, window_bounds = array<i64: 128, 16, 64>}, {transform_indices = @transform_1, window_bounds = array<i64: 128, 16, 64>}, {pipeline_mode = #tpu.pipeline_mode<synchronous>, transform_indices = @transform_2, window_bounds = array<i64: 64, 64>}, {pipeline_mode = #tpu.pipeline_mode<synchronous>, transform_indices = @transform_3, window_bounds = array<i64: 1, 64>}, {pipeline_mode = #tpu.pipeline_mode<synchronous>, transform_indices = @transform_4, window_bounds = array<i64: 1, 64>}, {pipeline_mode = #tpu.pipeline_mode<synchronous>, transform_indices = @transform_5, window_bounds = array<i64: 16, 1>}]} {
    %eq3A = arith.constant 0 : i32
    %eq3A_0 = arith.cmpi eq, %arg0, %eq3A : i32
    %convert_element_type3A = arith.extui %eq3A_0 : i1 to i32
    %cond3A = arith.constant 0 : i32
    %cond3A_1 = arith.cmpi ne, %convert_element_type3A, %cond3A : i32
    scf.if %cond3A_1 {
      %get3A_65 = arith.constant 0 : index
      %get3A_66 = arith.constant 0 : index
      %get3A_67 = vector.load %arg3[%get3A_65, %get3A_66] : memref<64x64xf32, #tpu.memory_space<vmem>>, vector<64x64xf32>
      %reduce_max3A = arith.constant dense<0xFF800000> : vector<64xf32>
      %reduce_max3A_68 = vector.multi_reduction <maximumf>, %get3A_67, %reduce_max3A [0] : vector<64x64xf32> to vector<64xf32>
      %broadcast_in_dim3A_69 = vector.shape_cast %reduce_max3A_68 : vector<64xf32> to vector<1x64xf32>
      %swap3A_70 = arith.constant 0 : index
      %swap3A_71 = arith.constant 0 : index
      %swap3A_72 = vector.load %arg15[%swap3A_70, %swap3A_71] : memref<1x64xf32, #tpu.memory_space<vmem>>, vector<1x64xf32>
      tpu.vector_store %arg15[%swap3A_70, %swap3A_71], %broadcast_in_dim3A_69 {strides = array<i32>} : memref<1x64xf32, #tpu.memory_space<vmem>>, vector<1x64xf32>,
      %sub3A = vector.broadcast %broadcast_in_dim3A_69 : vector<1x64xf32> to vector<64x64xf32>
      %sub3A_73 = arith.subf %get3A_67, %sub3A : vector<64x64xf32>
      %exp3A_74 = math.exp %sub3A_73 : vector<64x64xf32>
      %swap3A_75 = arith.constant 0 : index
      %swap3A_76 = arith.constant 0 : index
      %swap3A_77 = vector.load %arg13[%swap3A_75, %swap3A_76] : memref<64x64xf32, #tpu.memory_space<vmem>>, vector<64x64xf32>
      tpu.vector_store %arg13[%swap3A_75, %swap3A_76], %exp3A_74 {strides = array<i32>} : memref<64x64xf32, #tpu.memory_space<vmem>>, vector<64x64xf32>,
      %reduce_max3A_78 = arith.constant dense<0xFF800000> : vector<64xf32>
      %reduce_max3A_79 = vector.multi_reduction <maximumf>, %get3A_67, %reduce_max3A_78 [1] : vector<64x64xf32> to vector<64xf32>
      %broadcast_in_dim3A_80 = vector.shape_cast %reduce_max3A_79 : vector<64xf32> to vector<64x1xf32>
      %reduce_max3A_81 = arith.constant dense<0xFF800000> : vector<64xf32>
      %reduce_max3A_82 = vector.multi_reduction <maximumf>, %get3A_67, %reduce_max3A_81 [1] : vector<64x64xf32> to vector<64xf32>
      %reshape3A = vector.shape_cast %reduce_max3A_82 : vector<64xf32> to vector<1x64xf32>
      %swap3A_83 = arith.constant 0 : index
      %swap3A_84 = arith.constant 0 : index
      %swap3A_85 = vector.load %arg16[%swap3A_83, %swap3A_84] : memref<1x64xf32, #tpu.memory_space<vmem>>, vector<1x64xf32>
      tpu.vector_store %arg16[%swap3A_83, %swap3A_84], %reshape3A {strides = array<i32>} : memref<1x64xf32, #tpu.memory_space<vmem>>, vector<1x64xf32>,
      %sub3A_86 = vector.broadcast %broadcast_in_dim3A_80 : vector<64x1xf32> to vector<64x64xf32>
      %sub3A_87 = arith.subf %get3A_67, %sub3A_86 : vector<64x64xf32>
      %exp3A_88 = math.exp %sub3A_87 : vector<64x64xf32>
      %transpose3A = tpu.transpose %exp3A_88, [1, 0] : vector<64x64xf32> -> vector<64x64xf32>
      %swap3A_89 = arith.constant 0 : index
      %swap3A_90 = arith.constant 0 : index
      %swap3A_91 = vector.load %arg14[%swap3A_89, %swap3A_90] : memref<64x64xf32, #tpu.memory_space<vmem>>, vector<64x64xf32>
      tpu.vector_store %arg14[%swap3A_89, %swap3A_90], %transpose3A {strides = array<i32>} : memref<64x64xf32, #tpu.memory_space<vmem>>, vector<64x64xf32>,
      %get3A_92 = arith.constant 0 : index
      %get3A_93 = arith.constant 0 : index
      %get3A_94 = vector.load %arg4[%get3A_92, %get3A_93] : memref<1x64xf32, #tpu.memory_space<vmem>>, vector<1x64xf32>
      %get3A_95 = arith.constant 0 : index
      %get3A_96 = arith.constant 0 : index
      %get3A_97 = arith.constant 0 : index
      %get3A_98 = vector.load %arg1[%get3A_95, %get3A_96, %get3A_97] : memref<128x16x64xf32, #tpu.memory_space<vmem>>, vector<1x16x64xf32>
      %get3A_99 = vector.shape_cast %get3A_98 : vector<1x16x64xf32> to vector<16x64xf32>
      %add3A_100 = vector.broadcast %get3A_94 : vector<1x64xf32> to vector<16x64xf32>
      %add3A_101 = arith.addf %add3A_100, %get3A_99 : vector<16x64xf32>
      %reduce_max3A_102 = arith.constant dense<0xFF800000> : vector<16xf32>
      %reduce_max3A_103 = vector.multi_reduction <maximumf>, %add3A_101, %reduce_max3A_102 [1] : vector<16x64xf32> to vector<16xf32>
      %broadcast_in_dim3A_104 = vector.shape_cast %reduce_max3A_103 : vector<16xf32> to vector<16x1xf32>
      %sub3A_105 = vector.broadcast %broadcast_in_dim3A_104 : vector<16x1xf32> to vector<16x64xf32>
      %sub3A_106 = arith.subf %add3A_101, %sub3A_105 : vector<16x64xf32>
      %exp3A_107 = math.exp %sub3A_106 : vector<16x64xf32>
      %swap3A_108 = arith.constant 0 : index
      %swap3A_109 = arith.constant 0 : index
      %swap3A_110 = vector.load %arg7[%swap3A_108, %swap3A_109] : memref<16x64xf32, #tpu.memory_space<vmem>>, vector<16x64xf32>
      tpu.vector_store %arg7[%swap3A_108, %swap3A_109], %exp3A_107 {strides = array<i32>} : memref<16x64xf32, #tpu.memory_space<vmem>>, vector<16x64xf32>,
      %swap3A_111 = arith.constant 0 : index
      %swap3A_112 = arith.constant 0 : index
      %swap3A_113 = vector.load %arg8[%swap3A_111, %swap3A_112] : memref<16x1xf32, #tpu.memory_space<vmem>>, vector<16x1xf32>
      tpu.vector_store %arg8[%swap3A_111, %swap3A_112], %broadcast_in_dim3A_104 {strides = array<i32>} : memref<16x1xf32, #tpu.memory_space<vmem>>, vector<16x1xf32>,
      %broadcast_in_dim3A_114 = arith.constant 1.000000e+00 : f32
      %broadcast_in_dim3A_115 = vector.broadcast %broadcast_in_dim3A_114 : f32 to vector<16x1xf32>
      %swap3A_116 = arith.constant 0 : index
      %swap3A_117 = arith.constant 0 : index
      %swap3A_118 = vector.load %arg9[%swap3A_116, %swap3A_117] : memref<16x1xf32, #tpu.memory_space<vmem>>, vector<16x1xf32>
      tpu.vector_store %arg9[%swap3A_116, %swap3A_117], %broadcast_in_dim3A_115 {strides = array<i32>} : memref<16x1xf32, #tpu.memory_space<vmem>>, vector<16x1xf32>,
      %get3A_119 = arith.constant 0 : index
      %get3A_120 = arith.constant 0 : index
      %get3A_121 = vector.load %arg5[%get3A_119, %get3A_120] : memref<1x64xf32, #tpu.memory_space<vmem>>, vector<1x64xf32>
      %get3A_122 = arith.constant 0 : index
      %get3A_123 = arith.constant 0 : index
      %get3A_124 = vector.load %arg16[%get3A_122, %get3A_123] : memref<1x64xf32, #tpu.memory_space<vmem>>, vector<1x64xf32>
      %sub3A_125 = arith.subf %get3A_121, %get3A_124 : vector<1x64xf32>
      %exp3A_126 = math.exp %sub3A_125 : vector<1x64xf32>
      %broadcast_in_dim3A_127 = vector.shape_cast %exp3A_126 : vector<1x64xf32> to vector<1x64xf32>
      %broadcast_in_dim3A_128 = vector.broadcast %broadcast_in_dim3A_127 : vector<1x64xf32> to vector<16x64xf32>
      %swap3A_129 = arith.constant 0 : index
      %swap3A_130 = arith.constant 0 : index
      %swap3A_131 = vector.load %arg10[%swap3A_129, %swap3A_130] : memref<16x64xf32, #tpu.memory_space<vmem>>, vector<16x64xf32>
      tpu.vector_store %arg10[%swap3A_129, %swap3A_130], %broadcast_in_dim3A_128 {strides = array<i32>} : memref<16x64xf32, #tpu.memory_space<vmem>>, vector<16x64xf32>,
      %broadcast_in_dim3A_132 = arith.constant 0.000000e+00 : f32
      %broadcast_in_dim3A_133 = vector.broadcast %broadcast_in_dim3A_132 : f32 to vector<16x1xf32>
      %swap3A_134 = arith.constant 0 : index
      %swap3A_135 = arith.constant 0 : index
      %swap3A_136 = vector.load %arg11[%swap3A_134, %swap3A_135] : memref<16x1xf32, #tpu.memory_space<vmem>>, vector<16x1xf32>
      tpu.vector_store %arg11[%swap3A_134, %swap3A_135], %broadcast_in_dim3A_133 {strides = array<i32>} : memref<16x1xf32, #tpu.memory_space<vmem>>, vector<16x1xf32>,
      %broadcast_in_dim3A_137 = arith.constant 1.000000e+00 : f32
      %broadcast_in_dim3A_138 = vector.broadcast %broadcast_in_dim3A_137 : f32 to vector<16x1xf32>
      %swap3A_139 = arith.constant 0 : index
      %swap3A_140 = arith.constant 0 : index
      %swap3A_141 = vector.load %arg12[%swap3A_139, %swap3A_140] : memref<16x1xf32, #tpu.memory_space<vmem>>, vector<16x1xf32>
      tpu.vector_store %arg12[%swap3A_139, %swap3A_140], %broadcast_in_dim3A_138 {strides = array<i32>} : memref<16x1xf32, #tpu.memory_space<vmem>>, vector<16x1xf32>,
    } else {
    }
    %get3A = arith.constant 0 : index
    %get3A_2 = arith.constant 0 : index
    %get3A_3 = vector.load %arg13[%get3A, %get3A_2] : memref<64x64xf32, #tpu.memory_space<vmem>>, vector<64x64xf32>
    %get3A_4 = arith.constant 0 : index
    %get3A_5 = arith.constant 0 : index
    %get3A_6 = vector.load %arg14[%get3A_4, %get3A_5] : memref<64x64xf32, #tpu.memory_space<vmem>>, vector<64x64xf32>
    %get3A_7 = arith.constant 0 : index
    %get3A_8 = arith.constant 0 : index
    %get3A_9 = arith.constant 0 : index
    %get3A_10 = vector.load %arg1[%get3A_7, %get3A_8, %get3A_9] : memref<128x16x64xf32, #tpu.memory_space<vmem>>, vector<128x16x64xf32>
    %get3A_11 = arith.constant 0 : index
    %get3A_12 = arith.constant 0 : index
    %get3A_13 = vector.load %arg15[%get3A_11, %get3A_12] : memref<1x64xf32, #tpu.memory_space<vmem>>, vector<1x64xf32>
    %broadcast_in_dim3A = vector.shape_cast %get3A_13 : vector<1x64xf32> to vector<1x1x64xf32>
    %add3A = vector.broadcast %broadcast_in_dim3A : vector<1x1x64xf32> to vector<128x16x64xf32>
    %add3A_14 = arith.addf %get3A_10, %add3A : vector<128x16x64xf32>
    %exp3A = math.exp %add3A_14 : vector<128x16x64xf32>
    %swap3A = arith.constant 0 : index
    %swap3A_15 = arith.constant 0 : index
    %swap3A_16 = arith.constant 0 : index
    %swap3A_17 = vector.load %arg17[%swap3A, %swap3A_15, %swap3A_16] : memref<128x16x64xf32, #tpu.memory_space<vmem>>, vector<128x16x64xf32>
    tpu.vector_store %arg17[%swap3A, %swap3A_15, %swap3A_16], %exp3A {strides = array<i32>} : memref<128x16x64xf32, #tpu.memory_space<vmem>>, vector<128x16x64xf32>,
    %get3A_18 = arith.constant 0 : index
    %get3A_19 = arith.constant 0 : index
    %get3A_20 = arith.constant 0 : index
    %get3A_21 = vector.load %arg2[%get3A_18, %get3A_19, %get3A_20] : memref<128x16x64xf32, #tpu.memory_space<vmem>>, vector<128x16x64xf32>
    %get3A_22 = arith.constant 0 : index
    %get3A_23 = arith.constant 0 : index
    %get3A_24 = vector.load %arg16[%get3A_22, %get3A_23] : memref<1x64xf32, #tpu.memory_space<vmem>>, vector<1x64xf32>
    %broadcast_in_dim3A_25 = vector.shape_cast %get3A_24 : vector<1x64xf32> to vector<1x1x64xf32>
    %add3A_26 = vector.broadcast %broadcast_in_dim3A_25 : vector<1x1x64xf32> to vector<128x16x64xf32>
    %add3A_27 = arith.addf %get3A_21, %add3A_26 : vector<128x16x64xf32>
    %exp3A_28 = math.exp %add3A_27 : vector<128x16x64xf32>
    %swap3A_29 = arith.constant 0 : index
    %swap3A_30 = arith.constant 0 : index
    %swap3A_31 = arith.constant 0 : index
    %swap3A_32 = vector.load %arg18[%swap3A_29, %swap3A_30, %swap3A_31] : memref<128x16x64xf32, #tpu.memory_space<vmem>>, vector<128x16x64xf32>
    tpu.vector_store %arg18[%swap3A_29, %swap3A_30, %swap3A_31], %exp3A_28 {strides = array<i32>} : memref<128x16x64xf32, #tpu.memory_space<vmem>>, vector<128x16x64xf32>,
    %get3A_33 = arith.constant 0 : index
    %get3A_34 = arith.constant 0 : index
    %get3A_35 = vector.load %arg7[%get3A_33, %get3A_34] : memref<16x64xf32, #tpu.memory_space<vmem>>, vector<16x64xf32>
    %get3A_36 = arith.constant 0 : index
    %get3A_37 = arith.constant 0 : index
    %get3A_38 = vector.load %arg9[%get3A_36, %get3A_37] : memref<16x1xf32, #tpu.memory_space<vmem>>, vector<16x1xf32>
    %get3A_39 = arith.constant 0 : index
    %get3A_40 = arith.constant 0 : index
    %get3A_41 = vector.load %arg8[%get3A_39, %get3A_40] : memref<16x1xf32, #tpu.memory_space<vmem>>, vector<16x1xf32>
    %get3A_42 = arith.constant 0 : index
    %get3A_43 = arith.constant 0 : index
    %get3A_44 = vector.load %arg10[%get3A_42, %get3A_43] : memref<16x64xf32, #tpu.memory_space<vmem>>, vector<16x64xf32>
    %get3A_45 = arith.constant 0 : index
    %get3A_46 = arith.constant 0 : index
    %get3A_47 = vector.load %arg12[%get3A_45, %get3A_46] : memref<16x1xf32, #tpu.memory_space<vmem>>, vector<16x1xf32>
    %get3A_48 = arith.constant 0 : index
    %get3A_49 = arith.constant 0 : index
    %get3A_50 = vector.load %arg11[%get3A_48, %get3A_49] : memref<16x1xf32, #tpu.memory_space<vmem>>, vector<16x1xf32>
    %eq3A_51 = arith.constant 0 : i32
    %eq3A_52 = arith.cmpi eq, %arg0, %eq3A_51 : i32
    %convert_element_type3A_53 = arith.extui %eq3A_52 : i1 to i32
    %cond3A_54 = arith.constant 0 : i32
    %cond3A_55 = arith.cmpi ne, %convert_element_type3A_53, %cond3A_54 : i32
    scf.if %cond3A_55 {
      %get3A_65 = arith.constant 127 : index
      %get3A_66 = arith.constant 0 : index
      %get3A_67 = arith.constant 0 : index
      %get3A_68 = vector.load %arg18[%get3A_65, %get3A_66, %get3A_67] : memref<128x16x64xf32, #tpu.memory_space<vmem>>, vector<1x16x64xf32>
      %reshape3A = vector.shape_cast %get3A_68 : vector<1x16x64xf32> to vector<16x64xf32>
      %mul3A = arith.mulf %get3A_44, %reshape3A : vector<16x64xf32>
      %dot_general3A = arith.constant dense<0.000000e+00> : vector<16x64xf32>
      %dot_general3A_69 = tpu.matmul %mul3A, %get3A_6, %dot_general3A {dimension_numbers = #tpu.dot_dimension_numbers<[1], [0], [0], [1], [0, 0, 1, 1], [], []>, transpose_lhs_hint = false} : vector<16x64xf32>, vector<64x64xf32>, vector<16x64xf32> -> vector<16x64xf32>
      %dot_general3A_70 = arith.constant dense<0.000000e+00> : vector<16x64xf32>
      %dot_general3A_71 = tpu.matmul %get3A_35, %get3A_3, %dot_general3A_70 {dimension_numbers = #tpu.dot_dimension_numbers<[1], [0], [0], [1], [0, 0, 1, 1], [], []>, transpose_lhs_hint = false} : vector<16x64xf32>, vector<64x64xf32>, vector<16x64xf32> -> vector<16x64xf32>
      %get3A_72 = arith.constant 1 : index
      %get3A_73 = arith.constant 0 : index
      %get3A_74 = arith.constant 0 : index
      %get3A_75 = vector.load %arg17[%get3A_72, %get3A_73, %get3A_74] : memref<128x16x64xf32, #tpu.memory_space<vmem>>, vector<1x16x64xf32>
      %reshape3A_76 = vector.shape_cast %get3A_75 : vector<1x16x64xf32> to vector<16x64xf32>
      %mul3A_77 = arith.mulf %dot_general3A_71, %reshape3A_76 : vector<16x64xf32>
      %get3A_78 = arith.constant 126 : index
      %get3A_79 = arith.constant 0 : index
      %get3A_80 = arith.constant 0 : index
      %get3A_81 = vector.load %arg18[%get3A_78, %get3A_79, %get3A_80] : memref<128x16x64xf32, #tpu.memory_space<vmem>>, vector<1x16x64xf32>
      %reshape3A_82 = vector.shape_cast %get3A_81 : vector<1x16x64xf32> to vector<16x64xf32>
      %mul3A_83 = arith.mulf %dot_general3A_69, %reshape3A_82 : vector<16x64xf32>
      %dot_general3A_84 = arith.constant dense<0.000000e+00> : vector<16x64xf32>
      %dot_general3A_85 = tpu.matmul %mul3A_83, %get3A_6, %dot_general3A_84 {dimension_numbers = #tpu.dot_dimension_numbers<[1], [0], [0], [1], [0, 0, 1, 1], [], []>, transpose_lhs_hint = false} : vector<16x64xf32>, vector<64x64xf32>, vector<16x64xf32> -> vector<16x64xf32>
      %dot_general3A_86 = arith.constant dense<0.000000e+00> : vector<16x64xf32>
      %dot_general3A_87 = tpu.matmul %mul3A_77, %get3A_3, %dot_general3A_86 {dimension_numbers = #tpu.dot_dimension_numbers<[1], [0], [0], [1], [0, 0, 1, 1], [], []>, transpose_lhs_hint = false} : vector<16x64xf32>, vector<64x64xf32>, vector<16x64xf32> -> vector<16x64xf32>
      %get3A_88 = arith.constant 2 : index
      %get3A_89 = arith.constant 0 : index
      %get3A_90 = arith.constant 0 : index
      %get3A_91 = vector.load %arg17[%get3A_88, %get3A_89, %get3A_90] : memref<128x16x64xf32, #tpu.memory_space<vmem>>, vector<1x16x64xf32>
      %reshape3A_92 = vector.shape_cast %get3A_91 : vector<1x16x64xf32> to vector<16x64xf32>
      %mul3A_93 = arith.mulf %dot_general3A_87, %reshape3A_92 : vector<16x64xf32>
      %get3A_94 = arith.constant 125 : index
      %get3A_95 = arith.constant 0 : index
      %get3A_96 = arith.constant 0 : index
      %get3A_97 = vector.load %arg18[%get3A_94, %get3A_95, %get3A_96] : memref<128x16x64xf32, #tpu.memory_space<vmem>>, vector<1x16x64xf32>
      %reshape3A_98 = vector.shape_cast %get3A_97 : vector<1x16x64xf32> to vector<16x64xf32>
      %mul3A_99 = arith.mulf %dot_general3A_85, %reshape3A_98 : vector<16x64xf32>
      %dot_general3A_100 = arith.constant dense<0.000000e+00> : vector<16x64xf32>
      %dot_general3A_101 = tpu.matmul %mul3A_99, %get3A_6, %dot_general3A_100 {dimension_numbers = #tpu.dot_dimension_numbers<[1], [0], [0], [1], [0, 0, 1, 1], [], []>, transpose_lhs_hint = false} : vector<16x64xf32>, vector<64x64xf32>, vector<16x64xf32> -> vector<16x64xf32>
      %dot_general3A_102 = arith.constant dense<0.000000e+00> : vector<16x64xf32>
      %dot_general3A_103 = tpu.matmul %mul3A_93, %get3A_3, %dot_general3A_102 {dimension_numbers = #tpu.dot_dimension_numbers<[1], [0], [0], [1], [0, 0, 1, 1], [], []>, transpose_lhs_hint = false} : vector<16x64xf32>, vector<64x64xf32>, vector<16x64xf32> -> vector<16x64xf32>
      %get3A_104 = arith.constant 3 : index
      %get3A_105 = arith.constant 0 : index
      %get3A_106 = arith.constant 0 : index
      %get3A_107 = vector.load %arg17[%get3A_104, %get3A_105, %get3A_106] : memref<128x16x64xf32, #tpu.memory_space<vmem>>, vector<1x16x64xf32>
      %reshape3A_108 = vector.shape_cast %get3A_107 : vector<1x16x64xf32> to vector<16x64xf32>
      %mul3A_109 = arith.mulf %dot_general3A_103, %reshape3A_108 : vector<16x64xf32>
      %get3A_110 = arith.constant 124 : index
      %get3A_111 = arith.constant 0 : index
      %get3A_112 = arith.constant 0 : index
      %get3A_113 = vector.load %arg18[%get3A_110, %get3A_111, %get3A_112] : memref<128x16x64xf32, #tpu.memory_space<vmem>>, vector<1x16x64xf32>
      %reshape3A_114 = vector.shape_cast %get3A_113 : vector<1x16x64xf32> to vector<16x64xf32>
      %mul3A_115 = arith.mulf %dot_general3A_101, %reshape3A_114 : vector<16x64xf32>
      %dot_general3A_116 = arith.constant dense<0.000000e+00> : vector<16x64xf32>
      %dot_general3A_117 = tpu.matmul %mul3A_115, %get3A_6, %dot_general3A_116 {dimension_numbers = #tpu.dot_dimension_numbers<[1], [0], [0], [1], [0, 0, 1, 1], [], []>, transpose_lhs_hint = false} : vector<16x64xf32>, vector<64x64xf32>, vector<16x64xf32> -> vector<16x64xf32>
      %mul3A_118 = vector.broadcast %get3A_38 : vector<16x1xf32> to vector<16x64xf32>
      %mul3A_119 = arith.mulf %mul3A_109, %mul3A_118 : vector<16x64xf32>
      %reduce_max3A = arith.constant dense<0xFF800000> : vector<16xf32>
      %reduce_max3A_120 = vector.multi_reduction <maximumf>, %mul3A_119, %reduce_max3A [1] : vector<16x64xf32> to vector<16xf32>
      %broadcast_in_dim3A_121 = vector.shape_cast %reduce_max3A_120 : vector<16xf32> to vector<16x1xf32>
      %max3A = arith.constant 1.000000e-30 : f32
      %max3A_122 = vector.broadcast %max3A : f32 to vector<16x1xf32>
      %max3A_123 = arith.maximumf %broadcast_in_dim3A_121, %max3A_122 : vector<16x1xf32>
      %div3A = arith.constant 1.000000e+00 : f32
      %div3A_124 = vector.broadcast %div3A : f32 to vector<16x1xf32>
      %div3A_125 = arith.divf %div3A_124, %max3A_123 : vector<16x1xf32>
      %log3A = math.log %max3A_123 : vector<16x1xf32>
      %add3A_126 = arith.addf %get3A_41, %log3A : vector<16x1xf32>
      %mul3A_127 = vector.broadcast %get3A_47 : vector<16x1xf32> to vector<16x64xf32>
      %mul3A_128 = arith.mulf %dot_general3A_117, %mul3A_127 : vector<16x64xf32>
      %reduce_max3A_129 = arith.constant dense<0xFF800000> : vector<16xf32>
      %reduce_max3A_130 = vector.multi_reduction <maximumf>, %mul3A_128, %reduce_max3A_129 [1] : vector<16x64xf32> to vector<16xf32>
      %broadcast_in_dim3A_131 = vector.shape_cast %reduce_max3A_130 : vector<16xf32> to vector<16x1xf32>
      %max3A_132 = arith.constant 1.000000e-30 : f32
      %max3A_133 = vector.broadcast %max3A_132 : f32 to vector<16x1xf32>
      %max3A_134 = arith.maximumf %broadcast_in_dim3A_131, %max3A_133 : vector<16x1xf32>
      %div3A_135 = arith.constant 1.000000e+00 : f32
      %div3A_136 = vector.broadcast %div3A_135 : f32 to vector<16x1xf32>
      %div3A_137 = arith.divf %div3A_136, %max3A_134 : vector<16x1xf32>
      %log3A_138 = math.log %max3A_134 : vector<16x1xf32>
      %add3A_139 = arith.addf %get3A_50, %log3A_138 : vector<16x1xf32>
      %scan3A = arith.constant 1 : i32
      %scan3A_140 = arith.constant 31 : i32
      %scan3A_141 = arith.addi %scan3A, %scan3A_140 : i32
      %scan3A_142 = arith.constant 1 : i32
      %scan3A_143:6 = scf.for %scan3A_163 = %scan3A to %scan3A_141 step %scan3A_142 iter_args(%scan3A_164 = %mul3A_119, %scan3A_165 = %div3A_125, %scan3A_166 = %add3A_126, %scan3A_167 = %mul3A_128, %scan3A_168 = %div3A_137, %scan3A_169 = %add3A_139) -> (vector<16x64xf32>, vector<16x1xf32>, vector<16x1xf32>, vector<16x64xf32>, vector<16x1xf32>, vector<16x1xf32>)  : i32 {
        %mul3A_170 = arith.constant 4 : i32
        %mul3A_171 = arith.muli %scan3A_163, %mul3A_170 : i32
        %add3A_172 = arith.constant 0 : i32
        %add3A_173 = arith.addi %mul3A_171, %add3A_172 : i32
        %dot_general3A_174 = arith.constant dense<0.000000e+00> : vector<16x64xf32>
        %dot_general3A_175 = tpu.matmul %scan3A_164, %get3A_3, %dot_general3A_174 {dimension_numbers = #tpu.dot_dimension_numbers<[1], [0], [0], [1], [0, 0, 1, 1], [], []>, transpose_lhs_hint = false} : vector<16x64xf32>, vector<64x64xf32>, vector<16x64xf32> -> vector<16x64xf32>
        %get3A_176 = arith.index_cast %add3A_173 : i32 to index
        %get3A_177 = arith.constant 0 : index
        %get3A_178 = arith.constant 0 : index
        %get3A_179 = vector.load %arg17[%get3A_176, %get3A_177, %get3A_178] : memref<128x16x64xf32, #tpu.memory_space<vmem>>, vector<1x16x64xf32>
        %reshape3A_180 = vector.shape_cast %get3A_179 : vector<1x16x64xf32> to vector<16x64xf32>
        %mul3A_181 = arith.mulf %dot_general3A_175, %reshape3A_180 : vector<16x64xf32>
        %add3A_182 = arith.constant 0 : i32
        %add3A_183 = arith.addi %mul3A_171, %add3A_182 : i32
        %sub3A = arith.constant 127 : i32
        %sub3A_184 = arith.subi %sub3A, %add3A_183 : i32
        %get3A_185 = arith.index_cast %sub3A_184 : i32 to index
        %get3A_186 = arith.constant 0 : index
        %get3A_187 = arith.constant 0 : index
        %get3A_188 = vector.load %arg18[%get3A_185, %get3A_186, %get3A_187] : memref<128x16x64xf32, #tpu.memory_space<vmem>>, vector<1x16x64xf32>
        %reshape3A_189 = vector.shape_cast %get3A_188 : vector<1x16x64xf32> to vector<16x64xf32>
        %mul3A_190 = arith.mulf %scan3A_167, %reshape3A_189 : vector<16x64xf32>
        %dot_general3A_191 = arith.constant dense<0.000000e+00> : vector<16x64xf32>
        %dot_general3A_192 = tpu.matmul %mul3A_190, %get3A_6, %dot_general3A_191 {dimension_numbers = #tpu.dot_dimension_numbers<[1], [0], [0], [1], [0, 0, 1, 1], [], []>, transpose_lhs_hint = false} : vector<16x64xf32>, vector<64x64xf32>, vector<16x64xf32> -> vector<16x64xf32>
        %add3A_193 = arith.constant 1 : i32
        %add3A_194 = arith.addi %mul3A_171, %add3A_193 : i32
        %dot_general3A_195 = arith.constant dense<0.000000e+00> : vector<16x64xf32>
        %dot_general3A_196 = tpu.matmul %mul3A_181, %get3A_3, %dot_general3A_195 {dimension_numbers = #tpu.dot_dimension_numbers<[1], [0], [0], [1], [0, 0, 1, 1], [], []>, transpose_lhs_hint = false} : vector<16x64xf32>, vector<64x64xf32>, vector<16x64xf32> -> vector<16x64xf32>
        %get3A_197 = arith.index_cast %add3A_194 : i32 to index
        %get3A_198 = arith.constant 0 : index
        %get3A_199 = arith.constant 0 : index
        %get3A_200 = vector.load %arg17[%get3A_197, %get3A_198, %get3A_199] : memref<128x16x64xf32, #tpu.memory_space<vmem>>, vector<1x16x64xf32>
        %reshape3A_201 = vector.shape_cast %get3A_200 : vector<1x16x64xf32> to vector<16x64xf32>
        %mul3A_202 = arith.mulf %dot_general3A_196, %reshape3A_201 : vector<16x64xf32>
        %add3A_203 = arith.constant 1 : i32
        %add3A_204 = arith.addi %mul3A_171, %add3A_203 : i32
        %sub3A_205 = arith.constant 127 : i32
        %sub3A_206 = arith.subi %sub3A_205, %add3A_204 : i32
        %get3A_207 = arith.index_cast %sub3A_206 : i32 to index
        %get3A_208 = arith.constant 0 : index
        %get3A_209 = arith.constant 0 : index
        %get3A_210 = vector.load %arg18[%get3A_207, %get3A_208, %get3A_209] : memref<128x16x64xf32, #tpu.memory_space<vmem>>, vector<1x16x64xf32>
        %reshape3A_211 = vector.shape_cast %get3A_210 : vector<1x16x64xf32> to vector<16x64xf32>
        %mul3A_212 = arith.mulf %dot_general3A_192, %reshape3A_211 : vector<16x64xf32>
        %dot_general3A_213 = arith.constant dense<0.000000e+00> : vector<16x64xf32>
        %dot_general3A_214 = tpu.matmul %mul3A_212, %get3A_6, %dot_general3A_213 {dimension_numbers = #tpu.dot_dimension_numbers<[1], [0], [0], [1], [0, 0, 1, 1], [], []>, transpose_lhs_hint = false} : vector<16x64xf32>, vector<64x64xf32>, vector<16x64xf32> -> vector<16x64xf32>
        %add3A_215 = arith.constant 2 : i32
        %add3A_216 = arith.addi %mul3A_171, %add3A_215 : i32
        %dot_general3A_217 = arith.constant dense<0.000000e+00> : vector<16x64xf32>
        %dot_general3A_218 = tpu.matmul %mul3A_202, %get3A_3, %dot_general3A_217 {dimension_numbers = #tpu.dot_dimension_numbers<[1], [0], [0], [1], [0, 0, 1, 1], [], []>, transpose_lhs_hint = false} : vector<16x64xf32>, vector<64x64xf32>, vector<16x64xf32> -> vector<16x64xf32>
        %get3A_219 = arith.index_cast %add3A_216 : i32 to index
        %get3A_220 = arith.constant 0 : index
        %get3A_221 = arith.constant 0 : index
        %get3A_222 = vector.load %arg17[%get3A_219, %get3A_220, %get3A_221] : memref<128x16x64xf32, #tpu.memory_space<vmem>>, vector<1x16x64xf32>
        %reshape3A_223 = vector.shape_cast %get3A_222 : vector<1x16x64xf32> to vector<16x64xf32>
        %mul3A_224 = arith.mulf %dot_general3A_218, %reshape3A_223 : vector<16x64xf32>
        %add3A_225 = arith.constant 2 : i32
        %add3A_226 = arith.addi %mul3A_171, %add3A_225 : i32
        %sub3A_227 = arith.constant 127 : i32
        %sub3A_228 = arith.subi %sub3A_227, %add3A_226 : i32
        %get3A_229 = arith.index_cast %sub3A_228 : i32 to index
        %get3A_230 = arith.constant 0 : index
        %get3A_231 = arith.constant 0 : index
        %get3A_232 = vector.load %arg18[%get3A_229, %get3A_230, %get3A_231] : memref<128x16x64xf32, #tpu.memory_space<vmem>>, vector<1x16x64xf32>
        %reshape3A_233 = vector.shape_cast %get3A_232 : vector<1x16x64xf32> to vector<16x64xf32>
        %mul3A_234 = arith.mulf %dot_general3A_214, %reshape3A_233 : vector<16x64xf32>
        %dot_general3A_235 = arith.constant dense<0.000000e+00> : vector<16x64xf32>
        %dot_general3A_236 = tpu.matmul %mul3A_234, %get3A_6, %dot_general3A_235 {dimension_numbers = #tpu.dot_dimension_numbers<[1], [0], [0], [1], [0, 0, 1, 1], [], []>, transpose_lhs_hint = false} : vector<16x64xf32>, vector<64x64xf32>, vector<16x64xf32> -> vector<16x64xf32>
        %add3A_237 = arith.constant 3 : i32
        %add3A_238 = arith.addi %mul3A_171, %add3A_237 : i32
        %dot_general3A_239 = arith.constant dense<0.000000e+00> : vector<16x64xf32>
        %dot_general3A_240 = tpu.matmul %mul3A_224, %get3A_3, %dot_general3A_239 {dimension_numbers = #tpu.dot_dimension_numbers<[1], [0], [0], [1], [0, 0, 1, 1], [], []>, transpose_lhs_hint = false} : vector<16x64xf32>, vector<64x64xf32>, vector<16x64xf32> -> vector<16x64xf32>
        %get3A_241 = arith.index_cast %add3A_238 : i32 to index
        %get3A_242 = arith.constant 0 : index
        %get3A_243 = arith.constant 0 : index
        %get3A_244 = vector.load %arg17[%get3A_241, %get3A_242, %get3A_243] : memref<128x16x64xf32, #tpu.memory_space<vmem>>, vector<1x16x64xf32>
        %reshape3A_245 = vector.shape_cast %get3A_244 : vector<1x16x64xf32> to vector<16x64xf32>
        %mul3A_246 = arith.mulf %dot_general3A_240, %reshape3A_245 : vector<16x64xf32>
        %add3A_247 = arith.constant 3 : i32
        %add3A_248 = arith.addi %mul3A_171, %add3A_247 : i32
        %sub3A_249 = arith.constant 127 : i32
        %sub3A_250 = arith.subi %sub3A_249, %add3A_248 : i32
        %get3A_251 = arith.index_cast %sub3A_250 : i32 to index
        %get3A_252 = arith.constant 0 : index
        %get3A_253 = arith.constant 0 : index
        %get3A_254 = vector.load %arg18[%get3A_251, %get3A_252, %get3A_253] : memref<128x16x64xf32, #tpu.memory_space<vmem>>, vector<1x16x64xf32>
        %reshape3A_255 = vector.shape_cast %get3A_254 : vector<1x16x64xf32> to vector<16x64xf32>
        %mul3A_256 = arith.mulf %dot_general3A_236, %reshape3A_255 : vector<16x64xf32>
        %dot_general3A_257 = arith.constant dense<0.000000e+00> : vector<16x64xf32>
        %dot_general3A_258 = tpu.matmul %mul3A_256, %get3A_6, %dot_general3A_257 {dimension_numbers = #tpu.dot_dimension_numbers<[1], [0], [0], [1], [0, 0, 1, 1], [], []>, transpose_lhs_hint = false} : vector<16x64xf32>, vector<64x64xf32>, vector<16x64xf32> -> vector<16x64xf32>
        %mul3A_259 = vector.broadcast %scan3A_165 : vector<16x1xf32> to vector<16x64xf32>
        %mul3A_260 = arith.mulf %mul3A_246, %mul3A_259 : vector<16x64xf32>
        %reduce_max3A_261 = arith.constant dense<0xFF800000> : vector<16xf32>
        %reduce_max3A_262 = vector.multi_reduction <maximumf>, %mul3A_260, %reduce_max3A_261 [1] : vector<16x64xf32> to vector<16xf32>
        %broadcast_in_dim3A_263 = vector.shape_cast %reduce_max3A_262 : vector<16xf32> to vector<16x1xf32>
        %max3A_264 = arith.constant 1.000000e-30 : f32
        %max3A_265 = vector.broadcast %max3A_264 : f32 to vector<16x1xf32>
        %max3A_266 = arith.maximumf %broadcast_in_dim3A_263, %max3A_265 : vector<16x1xf32>
        %div3A_267 = arith.constant 1.000000e+00 : f32
        %div3A_268 = vector.broadcast %div3A_267 : f32 to vector<16x1xf32>
        %div3A_269 = arith.divf %div3A_268, %max3A_266 : vector<16x1xf32>
        %log3A_270 = math.log %max3A_266 : vector<16x1xf32>
        %add3A_271 = arith.addf %scan3A_166, %log3A_270 : vector<16x1xf32>
        %mul3A_272 = vector.broadcast %scan3A_168 : vector<16x1xf32> to vector<16x64xf32>
        %mul3A_273 = arith.mulf %dot_general3A_258, %mul3A_272 : vector<16x64xf32>
        %reduce_max3A_274 = arith.constant dense<0xFF800000> : vector<16xf32>
        %reduce_max3A_275 = vector.multi_reduction <maximumf>, %mul3A_273, %reduce_max3A_274 [1] : vector<16x64xf32> to vector<16xf32>
        %broadcast_in_dim3A_276 = vector.shape_cast %reduce_max3A_275 : vector<16xf32> to vector<16x1xf32>
        %max3A_277 = arith.constant 1.000000e-30 : f32
        %max3A_278 = vector.broadcast %max3A_277 : f32 to vector<16x1xf32>
        %max3A_279 = arith.maximumf %broadcast_in_dim3A_276, %max3A_278 : vector<16x1xf32>
        %div3A_280 = arith.constant 1.000000e+00 : f32
        %div3A_281 = vector.broadcast %div3A_280 : f32 to vector<16x1xf32>
        %div3A_282 = arith.divf %div3A_281, %max3A_279 : vector<16x1xf32>
        %log3A_283 = math.log %max3A_279 : vector<16x1xf32>
        %add3A_284 = arith.addf %scan3A_169, %log3A_283 : vector<16x1xf32>
        scf.yield %mul3A_260, %div3A_269, %add3A_271, %mul3A_273, %div3A_282, %add3A_284 : vector<16x64xf32>, vector<16x1xf32>, vector<16x1xf32>, vector<16x64xf32>, vector<16x1xf32>, vector<16x1xf32>
      }
      %scan3A_144 = arith.constant 31 : i32
      %swap3A_145 = arith.constant 0 : index
      %swap3A_146 = arith.constant 0 : index
      %swap3A_147 = vector.load %arg7[%swap3A_145, %swap3A_146] : memref<16x64xf32, #tpu.memory_space<vmem>>, vector<16x64xf32>
      tpu.vector_store %arg7[%swap3A_145, %swap3A_146], %scan3A_143#0 {strides = array<i32>} : memref<16x64xf32, #tpu.memory_space<vmem>>, vector<16x64xf32>,
      %swap3A_148 = arith.constant 0 : index
      %swap3A_149 = arith.constant 0 : index
      %swap3A_150 = vector.load %arg9[%swap3A_148, %swap3A_149] : memref<16x1xf32, #tpu.memory_space<vmem>>, vector<16x1xf32>
      tpu.vector_store %arg9[%swap3A_148, %swap3A_149], %scan3A_143#1 {strides = array<i32>} : memref<16x1xf32, #tpu.memory_space<vmem>>, vector<16x1xf32>,
      %swap3A_151 = arith.constant 0 : index
      %swap3A_152 = arith.constant 0 : index
      %swap3A_153 = vector.load %arg8[%swap3A_151, %swap3A_152] : memref<16x1xf32, #tpu.memory_space<vmem>>, vector<16x1xf32>
      tpu.vector_store %arg8[%swap3A_151, %swap3A_152], %scan3A_143#2 {strides = array<i32>} : memref<16x1xf32, #tpu.memory_space<vmem>>, vector<16x1xf32>,
      %swap3A_154 = arith.constant 0 : index
      %swap3A_155 = arith.constant 0 : index
      %swap3A_156 = vector.load %arg10[%swap3A_154, %swap3A_155] : memref<16x64xf32, #tpu.memory_space<vmem>>, vector<16x64xf32>
      tpu.vector_store %arg10[%swap3A_154, %swap3A_155], %scan3A_143#3 {strides = array<i32>} : memref<16x64xf32, #tpu.memory_space<vmem>>, vector<16x64xf32>,
      %swap3A_157 = arith.constant 0 : index
      %swap3A_158 = arith.constant 0 : index
      %swap3A_159 = vector.load %arg12[%swap3A_157, %swap3A_158] : memref<16x1xf32, #tpu.memory_space<vmem>>, vector<16x1xf32>
      tpu.vector_store %arg12[%swap3A_157, %swap3A_158], %scan3A_143#4 {strides = array<i32>} : memref<16x1xf32, #tpu.memory_space<vmem>>, vector<16x1xf32>,
      %swap3A_160 = arith.constant 0 : index
      %swap3A_161 = arith.constant 0 : index
      %swap3A_162 = vector.load %arg11[%swap3A_160, %swap3A_161] : memref<16x1xf32, #tpu.memory_space<vmem>>, vector<16x1xf32>
      tpu.vector_store %arg11[%swap3A_160, %swap3A_161], %scan3A_143#5 {strides = array<i32>} : memref<16x1xf32, #tpu.memory_space<vmem>>, vector<16x1xf32>,
    } else {
    }
    %gt3A = arith.constant 0 : i32
    %gt3A_56 = arith.cmpi sgt, %arg0, %gt3A : i32
    %convert_element_type3A_57 = arith.extui %gt3A_56 : i1 to i32
    %cond3A_58 = arith.constant 0 : i32
    %cond3A_59 = arith.cmpi ne, %convert_element_type3A_57, %cond3A_58 : i32
    scf.if %cond3A_59 {
      %scan3A = arith.constant 0 : i32
      %scan3A_65 = arith.constant 32 : i32
      %scan3A_66 = arith.addi %scan3A, %scan3A_65 : i32
      %scan3A_67 = arith.constant 1 : i32
      %scan3A_68:6 = scf.for %scan3A_88 = %scan3A to %scan3A_66 step %scan3A_67 iter_args(%scan3A_89 = %get3A_35, %scan3A_90 = %get3A_38, %scan3A_91 = %get3A_41, %scan3A_92 = %get3A_44, %scan3A_93 = %get3A_47, %scan3A_94 = %get3A_50) -> (vector<16x64xf32>, vector<16x1xf32>, vector<16x1xf32>, vector<16x64xf32>, vector<16x1xf32>, vector<16x1xf32>)  : i32 {
        %mul3A = arith.constant 4 : i32
        %mul3A_95 = arith.muli %scan3A_88, %mul3A : i32
        %add3A_96 = arith.constant 0 : i32
        %add3A_97 = arith.addi %mul3A_95, %add3A_96 : i32
        %dot_general3A = arith.constant dense<0.000000e+00> : vector<16x64xf32>
        %dot_general3A_98 = tpu.matmul %scan3A_89, %get3A_3, %dot_general3A {dimension_numbers = #tpu.dot_dimension_numbers<[1], [0], [0], [1], [0, 0, 1, 1], [], []>, transpose_lhs_hint = false} : vector<16x64xf32>, vector<64x64xf32>, vector<16x64xf32> -> vector<16x64xf32>
        %get3A_99 = arith.index_cast %add3A_97 : i32 to index
        %get3A_100 = arith.constant 0 : index
        %get3A_101 = arith.constant 0 : index
        %get3A_102 = vector.load %arg17[%get3A_99, %get3A_100, %get3A_101] : memref<128x16x64xf32, #tpu.memory_space<vmem>>, vector<1x16x64xf32>
        %reshape3A = vector.shape_cast %get3A_102 : vector<1x16x64xf32> to vector<16x64xf32>
        %mul3A_103 = arith.mulf %dot_general3A_98, %reshape3A : vector<16x64xf32>
        %add3A_104 = arith.constant 0 : i32
        %add3A_105 = arith.addi %mul3A_95, %add3A_104 : i32
        %sub3A = arith.constant 127 : i32
        %sub3A_106 = arith.subi %sub3A, %add3A_105 : i32
        %get3A_107 = arith.index_cast %sub3A_106 : i32 to index
        %get3A_108 = arith.constant 0 : index
        %get3A_109 = arith.constant 0 : index
        %get3A_110 = vector.load %arg18[%get3A_107, %get3A_108, %get3A_109] : memref<128x16x64xf32, #tpu.memory_space<vmem>>, vector<1x16x64xf32>
        %reshape3A_111 = vector.shape_cast %get3A_110 : vector<1x16x64xf32> to vector<16x64xf32>
        %mul3A_112 = arith.mulf %scan3A_92, %reshape3A_111 : vector<16x64xf32>
        %dot_general3A_113 = arith.constant dense<0.000000e+00> : vector<16x64xf32>
        %dot_general3A_114 = tpu.matmul %mul3A_112, %get3A_6, %dot_general3A_113 {dimension_numbers = #tpu.dot_dimension_numbers<[1], [0], [0], [1], [0, 0, 1, 1], [], []>, transpose_lhs_hint = false} : vector<16x64xf32>, vector<64x64xf32>, vector<16x64xf32> -> vector<16x64xf32>
        %add3A_115 = arith.constant 1 : i32
        %add3A_116 = arith.addi %mul3A_95, %add3A_115 : i32
        %dot_general3A_117 = arith.constant dense<0.000000e+00> : vector<16x64xf32>
        %dot_general3A_118 = tpu.matmul %mul3A_103, %get3A_3, %dot_general3A_117 {dimension_numbers = #tpu.dot_dimension_numbers<[1], [0], [0], [1], [0, 0, 1, 1], [], []>, transpose_lhs_hint = false} : vector<16x64xf32>, vector<64x64xf32>, vector<16x64xf32> -> vector<16x64xf32>
        %get3A_119 = arith.index_cast %add3A_116 : i32 to index
        %get3A_120 = arith.constant 0 : index
        %get3A_121 = arith.constant 0 : index
        %get3A_122 = vector.load %arg17[%get3A_119, %get3A_120, %get3A_121] : memref<128x16x64xf32, #tpu.memory_space<vmem>>, vector<1x16x64xf32>
        %reshape3A_123 = vector.shape_cast %get3A_122 : vector<1x16x64xf32> to vector<16x64xf32>
        %mul3A_124 = arith.mulf %dot_general3A_118, %reshape3A_123 : vector<16x64xf32>
        %add3A_125 = arith.constant 1 : i32
        %add3A_126 = arith.addi %mul3A_95, %add3A_125 : i32
        %sub3A_127 = arith.constant 127 : i32
        %sub3A_128 = arith.subi %sub3A_127, %add3A_126 : i32
        %get3A_129 = arith.index_cast %sub3A_128 : i32 to index
        %get3A_130 = arith.constant 0 : index
        %get3A_131 = arith.constant 0 : index
        %get3A_132 = vector.load %arg18[%get3A_129, %get3A_130, %get3A_131] : memref<128x16x64xf32, #tpu.memory_space<vmem>>, vector<1x16x64xf32>
        %reshape3A_133 = vector.shape_cast %get3A_132 : vector<1x16x64xf32> to vector<16x64xf32>
        %mul3A_134 = arith.mulf %dot_general3A_114, %reshape3A_133 : vector<16x64xf32>
        %dot_general3A_135 = arith.constant dense<0.000000e+00> : vector<16x64xf32>
        %dot_general3A_136 = tpu.matmul %mul3A_134, %get3A_6, %dot_general3A_135 {dimension_numbers = #tpu.dot_dimension_numbers<[1], [0], [0], [1], [0, 0, 1, 1], [], []>, transpose_lhs_hint = false} : vector<16x64xf32>, vector<64x64xf32>, vector<16x64xf32> -> vector<16x64xf32>
        %add3A_137 = arith.constant 2 : i32
        %add3A_138 = arith.addi %mul3A_95, %add3A_137 : i32
        %dot_general3A_139 = arith.constant dense<0.000000e+00> : vector<16x64xf32>
        %dot_general3A_140 = tpu.matmul %mul3A_124, %get3A_3, %dot_general3A_139 {dimension_numbers = #tpu.dot_dimension_numbers<[1], [0], [0], [1], [0, 0, 1, 1], [], []>, transpose_lhs_hint = false} : vector<16x64xf32>, vector<64x64xf32>, vector<16x64xf32> -> vector<16x64xf32>
        %get3A_141 = arith.index_cast %add3A_138 : i32 to index
        %get3A_142 = arith.constant 0 : index
        %get3A_143 = arith.constant 0 : index
        %get3A_144 = vector.load %arg17[%get3A_141, %get3A_142, %get3A_143] : memref<128x16x64xf32, #tpu.memory_space<vmem>>, vector<1x16x64xf32>
        %reshape3A_145 = vector.shape_cast %get3A_144 : vector<1x16x64xf32> to vector<16x64xf32>
        %mul3A_146 = arith.mulf %dot_general3A_140, %reshape3A_145 : vector<16x64xf32>
        %add3A_147 = arith.constant 2 : i32
        %add3A_148 = arith.addi %mul3A_95, %add3A_147 : i32
        %sub3A_149 = arith.constant 127 : i32
        %sub3A_150 = arith.subi %sub3A_149, %add3A_148 : i32
        %get3A_151 = arith.index_cast %sub3A_150 : i32 to index
        %get3A_152 = arith.constant 0 : index
        %get3A_153 = arith.constant 0 : index
        %get3A_154 = vector.load %arg18[%get3A_151, %get3A_152, %get3A_153] : memref<128x16x64xf32, #tpu.memory_space<vmem>>, vector<1x16x64xf32>
        %reshape3A_155 = vector.shape_cast %get3A_154 : vector<1x16x64xf32> to vector<16x64xf32>
        %mul3A_156 = arith.mulf %dot_general3A_136, %reshape3A_155 : vector<16x64xf32>
        %dot_general3A_157 = arith.constant dense<0.000000e+00> : vector<16x64xf32>
        %dot_general3A_158 = tpu.matmul %mul3A_156, %get3A_6, %dot_general3A_157 {dimension_numbers = #tpu.dot_dimension_numbers<[1], [0], [0], [1], [0, 0, 1, 1], [], []>, transpose_lhs_hint = false} : vector<16x64xf32>, vector<64x64xf32>, vector<16x64xf32> -> vector<16x64xf32>
        %add3A_159 = arith.constant 3 : i32
        %add3A_160 = arith.addi %mul3A_95, %add3A_159 : i32
        %dot_general3A_161 = arith.constant dense<0.000000e+00> : vector<16x64xf32>
        %dot_general3A_162 = tpu.matmul %mul3A_146, %get3A_3, %dot_general3A_161 {dimension_numbers = #tpu.dot_dimension_numbers<[1], [0], [0], [1], [0, 0, 1, 1], [], []>, transpose_lhs_hint = false} : vector<16x64xf32>, vector<64x64xf32>, vector<16x64xf32> -> vector<16x64xf32>
        %get3A_163 = arith.index_cast %add3A_160 : i32 to index
        %get3A_164 = arith.constant 0 : index
        %get3A_165 = arith.constant 0 : index
        %get3A_166 = vector.load %arg17[%get3A_163, %get3A_164, %get3A_165] : memref<128x16x64xf32, #tpu.memory_space<vmem>>, vector<1x16x64xf32>
        %reshape3A_167 = vector.shape_cast %get3A_166 : vector<1x16x64xf32> to vector<16x64xf32>
        %mul3A_168 = arith.mulf %dot_general3A_162, %reshape3A_167 : vector<16x64xf32>
        %add3A_169 = arith.constant 3 : i32
        %add3A_170 = arith.addi %mul3A_95, %add3A_169 : i32
        %sub3A_171 = arith.constant 127 : i32
        %sub3A_172 = arith.subi %sub3A_171, %add3A_170 : i32
        %get3A_173 = arith.index_cast %sub3A_172 : i32 to index
        %get3A_174 = arith.constant 0 : index
        %get3A_175 = arith.constant 0 : index
        %get3A_176 = vector.load %arg18[%get3A_173, %get3A_174, %get3A_175] : memref<128x16x64xf32, #tpu.memory_space<vmem>>, vector<1x16x64xf32>
        %reshape3A_177 = vector.shape_cast %get3A_176 : vector<1x16x64xf32> to vector<16x64xf32>
        %mul3A_178 = arith.mulf %dot_general3A_158, %reshape3A_177 : vector<16x64xf32>
        %dot_general3A_179 = arith.constant dense<0.000000e+00> : vector<16x64xf32>
        %dot_general3A_180 = tpu.matmul %mul3A_178, %get3A_6, %dot_general3A_179 {dimension_numbers = #tpu.dot_dimension_numbers<[1], [0], [0], [1], [0, 0, 1, 1], [], []>, transpose_lhs_hint = false} : vector<16x64xf32>, vector<64x64xf32>, vector<16x64xf32> -> vector<16x64xf32>
        %mul3A_181 = vector.broadcast %scan3A_90 : vector<16x1xf32> to vector<16x64xf32>
        %mul3A_182 = arith.mulf %mul3A_168, %mul3A_181 : vector<16x64xf32>
        %reduce_max3A = arith.constant dense<0xFF800000> : vector<16xf32>
        %reduce_max3A_183 = vector.multi_reduction <maximumf>, %mul3A_182, %reduce_max3A [1] : vector<16x64xf32> to vector<16xf32>
        %broadcast_in_dim3A_184 = vector.shape_cast %reduce_max3A_183 : vector<16xf32> to vector<16x1xf32>
        %max3A = arith.constant 1.000000e-30 : f32
        %max3A_185 = vector.broadcast %max3A : f32 to vector<16x1xf32>
        %max3A_186 = arith.maximumf %broadcast_in_dim3A_184, %max3A_185 : vector<16x1xf32>
        %div3A = arith.constant 1.000000e+00 : f32
        %div3A_187 = vector.broadcast %div3A : f32 to vector<16x1xf32>
        %div3A_188 = arith.divf %div3A_187, %max3A_186 : vector<16x1xf32>
        %log3A = math.log %max3A_186 : vector<16x1xf32>
        %add3A_189 = arith.addf %scan3A_91, %log3A : vector<16x1xf32>
        %mul3A_190 = vector.broadcast %scan3A_93 : vector<16x1xf32> to vector<16x64xf32>
        %mul3A_191 = arith.mulf %dot_general3A_180, %mul3A_190 : vector<16x64xf32>
        %reduce_max3A_192 = arith.constant dense<0xFF800000> : vector<16xf32>
        %reduce_max3A_193 = vector.multi_reduction <maximumf>, %mul3A_191, %reduce_max3A_192 [1] : vector<16x64xf32> to vector<16xf32>
        %broadcast_in_dim3A_194 = vector.shape_cast %reduce_max3A_193 : vector<16xf32> to vector<16x1xf32>
        %max3A_195 = arith.constant 1.000000e-30 : f32
        %max3A_196 = vector.broadcast %max3A_195 : f32 to vector<16x1xf32>
        %max3A_197 = arith.maximumf %broadcast_in_dim3A_194, %max3A_196 : vector<16x1xf32>
        %div3A_198 = arith.constant 1.000000e+00 : f32
        %div3A_199 = vector.broadcast %div3A_198 : f32 to vector<16x1xf32>
        %div3A_200 = arith.divf %div3A_199, %max3A_197 : vector<16x1xf32>
        %log3A_201 = math.log %max3A_197 : vector<16x1xf32>
        %add3A_202 = arith.addf %scan3A_94, %log3A_201 : vector<16x1xf32>
        scf.yield %mul3A_182, %div3A_188, %add3A_189, %mul3A_191, %div3A_200, %add3A_202 : vector<16x64xf32>, vector<16x1xf32>, vector<16x1xf32>, vector<16x64xf32>, vector<16x1xf32>, vector<16x1xf32>
      }
      %scan3A_69 = arith.constant 32 : i32
      %swap3A_70 = arith.constant 0 : index
      %swap3A_71 = arith.constant 0 : index
      %swap3A_72 = vector.load %arg7[%swap3A_70, %swap3A_71] : memref<16x64xf32, #tpu.memory_space<vmem>>, vector<16x64xf32>
      tpu.vector_store %arg7[%swap3A_70, %swap3A_71], %scan3A_68#0 {strides = array<i32>} : memref<16x64xf32, #tpu.memory_space<vmem>>, vector<16x64xf32>,
      %swap3A_73 = arith.constant 0 : index
      %swap3A_74 = arith.constant 0 : index
      %swap3A_75 = vector.load %arg9[%swap3A_73, %swap3A_74] : memref<16x1xf32, #tpu.memory_space<vmem>>, vector<16x1xf32>
      tpu.vector_store %arg9[%swap3A_73, %swap3A_74], %scan3A_68#1 {strides = array<i32>} : memref<16x1xf32, #tpu.memory_space<vmem>>, vector<16x1xf32>,
      %swap3A_76 = arith.constant 0 : index
      %swap3A_77 = arith.constant 0 : index
      %swap3A_78 = vector.load %arg8[%swap3A_76, %swap3A_77] : memref<16x1xf32, #tpu.memory_space<vmem>>, vector<16x1xf32>
      tpu.vector_store %arg8[%swap3A_76, %swap3A_77], %scan3A_68#2 {strides = array<i32>} : memref<16x1xf32, #tpu.memory_space<vmem>>, vector<16x1xf32>,
      %swap3A_79 = arith.constant 0 : index
      %swap3A_80 = arith.constant 0 : index
      %swap3A_81 = vector.load %arg10[%swap3A_79, %swap3A_80] : memref<16x64xf32, #tpu.memory_space<vmem>>, vector<16x64xf32>
      tpu.vector_store %arg10[%swap3A_79, %swap3A_80], %scan3A_68#3 {strides = array<i32>} : memref<16x64xf32, #tpu.memory_space<vmem>>, vector<16x64xf32>,
      %swap3A_82 = arith.constant 0 : index
      %swap3A_83 = arith.constant 0 : index
      %swap3A_84 = vector.load %arg12[%swap3A_82, %swap3A_83] : memref<16x1xf32, #tpu.memory_space<vmem>>, vector<16x1xf32>
      tpu.vector_store %arg12[%swap3A_82, %swap3A_83], %scan3A_68#4 {strides = array<i32>} : memref<16x1xf32, #tpu.memory_space<vmem>>, vector<16x1xf32>,
      %swap3A_85 = arith.constant 0 : index
      %swap3A_86 = arith.constant 0 : index
      %swap3A_87 = vector.load %arg11[%swap3A_85, %swap3A_86] : memref<16x1xf32, #tpu.memory_space<vmem>>, vector<16x1xf32>
      tpu.vector_store %arg11[%swap3A_85, %swap3A_86], %scan3A_68#5 {strides = array<i32>} : memref<16x1xf32, #tpu.memory_space<vmem>>, vector<16x1xf32>,
    } else {
    }
    %eq3A_60 = arith.constant 3 : i32
    %eq3A_61 = arith.cmpi eq, %arg0, %eq3A_60 : i32
    %convert_element_type3A_62 = arith.extui %eq3A_61 : i1 to i32
    %cond3A_63 = arith.constant 0 : i32
    %cond3A_64 = arith.cmpi ne, %convert_element_type3A_62, %cond3A_63 : i32
    scf.if %cond3A_64 {
      %get3A_65 = arith.constant 0 : index
      %get3A_66 = arith.constant 0 : index
      %get3A_67 = vector.load %arg7[%get3A_65, %get3A_66] : memref<16x64xf32, #tpu.memory_space<vmem>>, vector<16x64xf32>
      %get3A_68 = arith.constant 0 : index
      %get3A_69 = arith.constant 0 : index
      %get3A_70 = vector.load %arg9[%get3A_68, %get3A_69] : memref<16x1xf32, #tpu.memory_space<vmem>>, vector<16x1xf32>
      %mul3A = vector.broadcast %get3A_70 : vector<16x1xf32> to vector<16x64xf32>
      %mul3A_71 = arith.mulf %get3A_67, %mul3A : vector<16x64xf32>
      %get3A_72 = arith.constant 0 : index
      %get3A_73 = arith.constant 0 : index
      %get3A_74 = vector.load %arg10[%get3A_72, %get3A_73] : memref<16x64xf32, #tpu.memory_space<vmem>>, vector<16x64xf32>
      %get3A_75 = arith.constant 0 : index
      %get3A_76 = arith.constant 0 : index
      %get3A_77 = vector.load %arg12[%get3A_75, %get3A_76] : memref<16x1xf32, #tpu.memory_space<vmem>>, vector<16x1xf32>
      %mul3A_78 = vector.broadcast %get3A_77 : vector<16x1xf32> to vector<16x64xf32>
      %mul3A_79 = arith.mulf %get3A_74, %mul3A_78 : vector<16x64xf32>
      %get3A_80 = arith.constant 0 : index
      %get3A_81 = arith.constant 0 : index
      %get3A_82 = vector.load %arg16[%get3A_80, %get3A_81] : memref<1x64xf32, #tpu.memory_space<vmem>>, vector<1x64xf32>
      %exp3A_83 = math.exp %get3A_82 : vector<1x64xf32>
      %mul3A_84 = vector.broadcast %exp3A_83 : vector<1x64xf32> to vector<16x64xf32>
      %mul3A_85 = arith.mulf %mul3A_79, %mul3A_84 : vector<16x64xf32>
      %mul3A_86 = arith.mulf %mul3A_71, %mul3A_85 : vector<16x64xf32>
      %reduce_sum3A = arith.constant dense<0.000000e+00> : vector<16xf32>
      %reduce_sum3A_87 = vector.multi_reduction <add>, %mul3A_86, %reduce_sum3A [1] : vector<16x64xf32> to vector<16xf32>
      %get3A_88 = arith.constant 0 : index
      %get3A_89 = arith.constant 0 : index
      %get3A_90 = vector.load %arg8[%get3A_88, %get3A_89] : memref<16x1xf32, #tpu.memory_space<vmem>>, vector<16x1xf32>
      %squeeze3A = vector.shape_cast %get3A_90 : vector<16x1xf32> to vector<16xf32>
      %get3A_91 = arith.constant 0 : index
      %get3A_92 = arith.constant 0 : index
      %get3A_93 = vector.load %arg11[%get3A_91, %get3A_92] : memref<16x1xf32, #tpu.memory_space<vmem>>, vector<16x1xf32>
      %squeeze3A_94 = vector.shape_cast %get3A_93 : vector<16x1xf32> to vector<16xf32>
      %add3A_95 = arith.addf %squeeze3A, %squeeze3A_94 : vector<16xf32>
      %log3A = math.log %reduce_sum3A_87 : vector<16xf32>
      %add3A_96 = arith.addf %add3A_95, %log3A : vector<16xf32>
      %broadcast_in_dim3A_97 = vector.shape_cast %add3A_96 : vector<16xf32> to vector<16x1xf32>
      %swap3A_98 = arith.constant 0 : index
      %swap3A_99 = arith.constant 0 : index
      %swap3A_100 = vector.load %arg6[%swap3A_98, %swap3A_99] : memref<16x1xf32, #tpu.memory_space<vmem>>, vector<16x1xf32>
      tpu.vector_store %arg6[%swap3A_98, %swap3A_99], %broadcast_in_dim3A_97 {strides = array<i32>} : memref<16x1xf32, #tpu.memory_space<vmem>>, vector<16x1xf32>,
    } else {
    }
    return
  }
  func.func @transform_0(%arg0: i32) -> (i32, i32, i32) {
    %c0_i32 = arith.constant 0 : i32
    %c0_i32_0 = arith.constant 0 : i32
    %c0_i32_1 = arith.constant 0 : i32
    return %arg0, %c0_i32, %c0_i32_0 : i32, i32, i32
  }
  func.func @transform_1(%arg0: i32) -> (i32, i32, i32) {
    %sub3A = arith.constant 7 : i32
    %sub3A_0 = arith.subi %sub3A, %arg0 : i32
    %c0_i32 = arith.constant 0 : i32
    %c0_i32_1 = arith.constant 0 : i32
    %c0_i32_2 = arith.constant 0 : i32
    return %sub3A_0, %c0_i32, %c0_i32_1 : i32, i32, i32
  }
  func.func @transform_2(%arg0: i32) -> (i32, i32) {
    %c0_i32 = arith.constant 0 : i32
    %c0_i32_0 = arith.constant 0 : i32
    %c0_i32_1 = arith.constant 0 : i32
    return %c0_i32, %c0_i32_0 : i32, i32
  }
  func.func @transform_3(%arg0: i32) -> (i32, i32) {
    %c0_i32 = arith.constant 0 : i32
    %c0_i32_0 = arith.constant 0 : i32
    %c0_i32_1 = arith.constant 0 : i32
    return %c0_i32, %c0_i32_0 : i32, i32
  }
  func.func @transform_4(%arg0: i32) -> (i32, i32) {
    %c0_i32 = arith.constant 0 : i32
    %c0_i32_0 = arith.constant 0 : i32
    %c0_i32_1 = arith.constant 0 : i32
    return %c0_i32, %c0_i32_0 : i32, i32
  }
  func.func @transform_5(%arg0: i32) -> (i32, i32) {
    %c0_i32 = arith.constant 0 : i32
    %c0_i32_0 = arith.constant 0 : i32
    %c0_i32_1 = arith.constant 0 : i32
    return %c0_i32, %c0_i32_0 : i32, i32
  }
}

</mosaic_0001>

<sc_bundles>
// kernel: kernel.4.cloned.1.call-start
scs
__scs_entry_jumppad:
0x0: {  	(pc) =	sbr.rel $0x88, $3  }
0x1: {  	(tag) =	ssettag $0x0;
	lr =	simm.s32 $0x1  }
0x2: {  	[smem:$0x3F9C] =	sst lr;
	_ =	strace $0xD0000000  }
0x3: {  	_ = 	snop  }
0x4: {  	_ = 	snop  }
0x5: {  	_ = 	snop  }
0x6: {  	_ = 	snop  }
0x7: {  	_ = 	snop  }
__scs_overlays_trampoline_lowered:
0x8: {  	[smem:$0x3FAB] =	sst s0  }
0x9: {  	[smem:$0x3FAC] =	sst s1  }
0xa: {  	[smem:$0x3FAD] =	sst s2  }
0xb: {  	[smem:$0x3FAE] =	sst s3  }
0xc: {  	[smem:$0x3FAF] =	sst s4  }
0xd: {  	[smem:$0x3FB0] =	sst s5  }
0xe: {  	[smem:$0x3FB1] =	sst s6  }
0xf: {  	[smem:$0x3FB2] =	sst s7  }
0x10: {  	[smem:$0x3FB3] =	sst s8  }
0x11: {  	[smem:$0x3FB4] =	sst s9;
	s0 =	simm.s32 @!p0 $0x0  }
0x12: {  	s1 =	sld [smem:$0x3F9A];
	s0 =	simm.s32 @p0 $0x1  }
0x13: {  	[smem:$0x3FB5] =	sst s0;
	s0 =	simm.s32 @!p1 $0x0  }
0x14: {  	s2 =	sld [smem:$0x3F99];
	s0 =	simm.s32 @p1 $0x1  }
0x15: {  	[smem:$0x3FB6] =	sst s0;
	s0 =	simm.s32 @!p2 $0x0  }
0x16: {  	s3 =	sld [smem:$0x3FDB];
	s0 =	simm.s32 @p2 $0x1  }
0x17: {  	s4 =	simm.s32 $0x1BF5;
	[smem:$0x3FB8] =	sst s0  }
0x18: {  	s0 =	sld [smem:$0x3F9B];
	_ =	swait.ge [sflag:s4], $0x0  }
0x19: {  	s7 =	sld [smem:$0x3F9C]  }
0x1a: {  	s8 =	sadd.s32 $0xFFFFE003, lr  }
0x1b: {  	s9 =	sadd.s32 $0xFFFFFEF7, lr;
	s5 =	simm.s32 $0xFFFFFFFF;
	p2 =	slt.u32 s8, $0xFFFFF086  }
0x1c: {  	p1 =	slt.u32 s9, $0xF7A;
	s5 =	simm.s32 @!p2 $0x0  }
0x1d: {  	s5 =	simm.s32 @p1 $0x1;
	p0 =	seq.s32 s7, s2  }
0x1e: {  	s7 =	smul.u32 @!p0 $0xF7A, s2;
	p2 =	seq.s32 @!p0 s5, $0x0  }
0x1f: {  	s9 =	smul.u32 $0xF7A, s1;
	s8 =	simm.s32 @!p0 $0x1BF5;
	p2 =	por !p2, p0  }
0x20: {  	[sflag:s8] =	ssyncset.s32 @!p0 $0xFFFFF086;
	s6 =	sadd.s32 @!p0 s3, s7;
	s7 =	simm.s32 @!p0 $0x108  }
0x21: {  	s3 =	sadd.s32 s3, s9;
	s6 =	sadd.s32 @!p0 $0x88, s6;
	s7 =	simm.s32 @p2 $0x1082  }
0x22: {  	[simem:s7], [sflag:s8] =	dma.local @!p0 [hbm:s6], $0xF7A  }
0x23: {  	s9 =	sor.u32 $0xD0000000, s2;
	s6 =	simm.s32 $0x108;
	_ =	swait.ge @!p0 [sflag:s8], $0x0  }
0x24: {  	s3 =	sadd.s32 $0x88, s3;
	s6 =	simm.s32 @!p1 $0x1082;
	[sflag:s4] =	ssyncset.s32 $0xFFFFF086  }
0x25: {  	[simem:s6], [sflag:s4] =	dma.local [hbm:s3], $0xF7A  }
0x26: {  	[smem:$0x3F9C] =	sst s1;
	(tag) =	ssettag s2;
	_ =	strace s9  }
0x27: {  	s1 =	sld [smem:$0x3FAC]  }
0x28: {  	s2 =	sld [smem:$0x3FAD]  }
0x29: {  	s4 =	sld [smem:$0x3FAF]  }
0x2a: {  	p0 =	seq.s32 s5, $0x0;
	s5 =	sld [smem:$0x3FB0]  }
0x2b: {  	s6 =	sld [smem:$0x3FB1]  }
0x2c: {  	s7 =	sld [smem:$0x3FB2]  }
0x2d: {  	s3 =	simm.s32 $0x108;
	s8 =	sld [smem:$0x3FB3]  }
0x2e: {  	s3 =	simm.s32 @!p0 $0x1082;
	s9 =	sld [smem:$0x3FB4]  }
0x2f: {  	lr =	sadd.s32 s0, s3;
	s0 =	sld [smem:$0x3FAB]  }
0x30: {  	s3 =	sld [smem:$0x3FAE]  }
0x31: {  	[smem:$0x3FB7] =	sst s10  }
0x32: {  	s10 =	sld [smem:$0x3FB5];
	_ =	sdelay $0x3  }
0x33: {  	p0 =	seq.s32 s10, $0x1;
	s10 =	sld [smem:$0x3FB7];
	_ =	sdelay $0x3  }
0x34: {  	[smem:$0x3FB7] =	sst s10  }
0x35: {  	s10 =	sld [smem:$0x3FB6];
	_ =	sdelay $0x3  }
0x36: {  	p1 =	seq.s32 s10, $0x1;
	s10 =	sld [smem:$0x3FB7];
	_ =	sdelay $0x3  }
0x37: {  	[smem:$0x3FB7] =	sst s10  }
0x38: {  	s10 =	sld [smem:$0x3FB8]  }
0x39: {  	_ = 	snop;
	(pc) =	sbr.ind lr, $3  }
0x3a: {  	_ = 	snop  }
0x3b: {  	_ = 	snop  }
0x3c: {  	p2 =	seq.s32 s10, $0x1;
	s10 =	sld [smem:$0x3FB7]  }
0x3d: {  	_ =	shalt  }
0x3e: {  	_ =	shalt  }
0x3f: {  	_ =	shalt  }
0x40: {  	_ =	shalt  }
0x41: {  	_ =	shalt  }
0x42: {  	_ =	shalt  }
0x43: {  	_ =	shalt  }
0x44: {  	_ =	shalt  }
0x45: {  	_ =	shalt  }
0x46: {  	_ =	shalt  }
0x47: {  	_ =	shalt  }
0x48: {  	_ =	shalt  }
0x49: {  	_ =	shalt  }
0x4a: {  	_ =	shalt  }
0x4b: {  	_ =	shalt  }
0x4c: {  	_ =	shalt  }
0x4d: {  	_ =	shalt  }
0x4e: {  	_ =	shalt  }
0x4f: {  	_ =	shalt  }
0x50: {  	_ =	shalt  }
0x51: {  	_ =	shalt  }
0x52: {  	_ =	shalt  }
0x53: {  	_ =	shalt  }
0x54: {  	_ =	shalt  }
0x55: {  	_ =	shalt  }
0x56: {  	_ =	shalt  }
0x57: {  	_ =	shalt  }
0x58: {  	_ =	shalt  }
0x59: {  	_ =	shalt  }
0x5a: {  	_ =	shalt  }
0x5b: {  	_ =	shalt  }
0x5c: {  	_ =	shalt  }
0x5d: {  	_ =	shalt  }
0x5e: {  	_ =	shalt  }
0x5f: {  	_ =	shalt  }
0x60: {  	_ =	shalt  }
0x61: {  	_ =	shalt  }
0x62: {  	_ =	shalt  }
0x63: {  	_ =	shalt  }
0x64: {  	_ =	shalt  }
0x65: {  	_ =	shalt  }
0x66: {  	_ =	shalt  }
0x67: {  	_ =	shalt  }
0x68: {  	_ =	shalt  }
0x69: {  	_ =	shalt  }
0x6a: {  	_ =	shalt  }
0x6b: {  	_ =	shalt  }
0x6c: {  	_ =	shalt  }
0x6d: {  	_ =	shalt  }
0x6e: {  	_ =	shalt  }
0x6f: {  	_ =	shalt  }
0x70: {  	_ =	shalt  }
0x71: {  	_ =	shalt  }
0x72: {  	_ =	shalt  }
0x73: {  	_ =	shalt  }
0x74: {  	_ =	shalt  }
0x75: {  	_ =	shalt  }
0x76: {  	_ =	shalt  }
0x77: {  	_ =	shalt  }
0x78: {  	_ =	shalt  }
0x79: {  	_ =	shalt  }
0x7a: {  	_ =	shalt  }
0x7b: {  	_ =	shalt  }
0x7c: {  	_ =	shalt  }
0x7d: {  	_ =	shalt  }
0x7e: {  	_ =	shalt  }
0x7f: {  	_ =	shalt  }
0x80: {  	_ =	shalt  }
0x81: {  	_ =	shalt  }
0x82: {  	_ =	shalt  }
0x83: {  	_ =	shalt  }
0x84: {  	_ =	shalt  }
0x85: {  	_ =	shalt  }
0x86: {  	_ =	shalt  }
0x87: {  	_ =	shalt  }
.Lfunc_end0:
.L_simem_size_0:
called_computation_lowered:
.L_overlay_start_0:
0x88: {  	s2 =	sld [smem:$0x3FD9]  }
0x89: {  	s3 =	sld [smem:$0x3FFE];
	_ =	sdelay $0x1  }
0x8a: {  	s1 =	srdreg.scid  }
0x8b: {  	s0 =	sand.u32 $0x1, s1  }
0x8c: {  	s17 =	sshll.u32 s0, $0xA;
	s2 =	sadd.s32 s3, s2  }
0x8d: {  	s2 =	sadd.s32 s2, s17  }
0x8e: {  	[smem:$0x3FC3] =	sst s2  }
0x8f: {  	_ = 	snop  }
0x90: {  	s2 =	sld [smem:$0x3FC8]  }
0x91: {  	s18 =	sld [smem:$0x3FC6]  }
0x92: {  	s4 =	sld [smem:$0x3FC5];
	(tm) =	ssettm $0x1  }
0x93: {  	s5 =	sld [smem:$0x3FFB];
	_ =	sdelay $0x3  }
0x94: {  	_ =	strace s5  }
0x95: {  	s5 =	sld [smem:$0x3FFC];
	_ =	sdelay $0x3  }
0x96: {  	_ =	strace s5  }
0x97: {  	s5 =	sld [smem:$0x3FFD];
	_ =	sdelay $0x3  }
0x98: {  	_ =	strace s5  }
0x99: {  	_ =	strace $0x8FFFFFFF  }
0x9a: {  	s19 =	sld [smem:$0x3FDB];
	_ =	sdelay $0x1  }
0x9b: {  	s6 =	simm.s32 $_scs_section_size  }
0x9c: {  	s7 =	simm.s32 $_size__tile_overlayer_lowered;
	s8 =	simm.s32 $_tile_overlayer_lowered  }
0x9d: {  	s22 =	simm.s32 $0x1BFF;
	s21 =	sshll.u32 s8, $0x1;
	s5 =	sadd.s32 s6, s19  }
0x9e: {  	s9 =	simm.s32 $0x0;
	s20 =	sshll.u32 s7, $0x1;
	s7 =	sadd.s32 s21, s5  }
0x9f: {  	[timem:s9], [sflag:s22] =	dma.local [hbm:s7], s20  }
0xa0: {  	_ =	swait.ge [sflag:s22], s20  }
0xa1: {  	s6 =	ssub.s32 $0x0, s20;
	[sflag:s22] =	ssyncset.done $0x0  }
0xa2: {  	[sflag:s22] =	ssyncadd.s32 s6;
	_ =	sdelay $0x1  }
0xa3: {  	s23 =	simm.s32 $0x1B8B  }
0xa4: {  	_ =	swait.ge [sflag:s23], $0x1  }
0xa5: {  	[sflag:s23] =	ssyncset.done $0x0  }
0xa6: {  	s25 =	simm.s32 $0x1B8E;
	s24 =	sld [smem:$0x3FFE];
	[sflag:s23] =	ssyncadd.s32 $0xFFFFFFFF  }
0xa7: {  	s26 =	simm.s32 $execute0_lowered;
	[smem:$0x3FD2] =	sst s25  }
0xa8: {  	s7 =	sshll.u32 s26, $0x1;
	_ =	strace $0x80000046;
	[dreg:$0x1] =	wrdreg $0xFFFFFFFF  }
0xa9: {  	s28 =	simm.s32 $_size_execute0_lowered;
	s5 =	sadd.s32 s5, s7;
	[dreg:$0x0] =	wrdreg $0x0  }
0xaa: {  	s7 =	sshll.u32 s28, $0x1;
	[dreg:$0x2] =	wrdreg s5  }
0xab: {  	[dreg:$0x3] =	wrdreg s7  }
0xac: {  	[dreg:$0x4] =	wrdreg $0xC0  }
0xad: {  	_ =	task [dreg:s9], $0x5FFFF  }
0xae: {  	[dreg:$0x1] =	wrdreg $0xFFFFFFFF  }
0xaf: {  	[dreg:$0x0] =	wrdreg $0x60  }
0xb0: {  	[dreg:$0x2] =	wrdreg s24  }
0xb1: {  	[dreg:$0x3] =	wrdreg s2  }
0xb2: {  	[dreg:$0x4] =	wrdreg s18  }
0xb3: {  	[dreg:$0x5] =	wrdreg s4  }
0xb4: {  	[dreg:$0x6] =	wrdreg $0x92C00  }
0xb5: {  	[dreg:$0x7] =	wrdreg $0x9  }
0xb6: {  	_ =	task.clear_ibuf [dreg:s9], $0x8FFFF;
	_ =	strace $0x90000046  }
0xb7: {  	s29 =	simm.s32 $0x9;
	_ =	strace $0x80000048  }
0xb8: {  	_ =	swait.ge [sflag:s29], $0x1  }
0xb9: {  	[sflag:s29] =	ssyncadd.s32 $0xFFFFFFFF  }
0xba: {  	_ =	strace $0x90000048  }
0xbb: {  	_ =	sfence  }
0xbc: {  	s30 =	sld [smem:$0x0];
	_ =	sdelay $0x2  }
0xbd: {  	s31 =	sshll.u32 s1, $0xD;
	s1 =	sshrl.u32 s1, $0x2  }
0xbe: {  	s3 =	sand.u32 $0x4000, s31;
	s1 =	sadd.s32 s1, s30  }
0xbf: {  	s0 =	sor.u32 s3, s0;
	s1 =	sshll.u32 s1, $0x11  }
0xc0: {  	s0 =	sor.u32 s1, s0  }
0xc1: {  	s0 =	sadd.s32 $0x8F2B, s0  }
0xc2: {  	[sflag:s0] =	ssyncadd.remote.s32 $0x1  }
0xc3: {  	_ =	sfence.sel $0xFFFF  }
0xc4: {  	[dreg:$0x0] =	wrdreg $0xFFFFFFFF;
	(pc) =	sbr.abs _section_cstart, $3  }
0xc5: {  	[dreg:$0x1] =	wrdreg $0xFFFFFFFF  }
0xc6: {  	_ =	task.clear_ibuf [dreg:s9], $0x2FFFF;
	_ =	strace $0x9FFFFFFF  }
0xc7: {  	(tm) =	ssettm $0x7FFFFFFF  }
tec
execute0_lowered:
.L_overlay_start_1:
0x0: {  	(tag) =	ssettag $0x1  }
0x1: {  	s6 =	rddreg [dreg:$0x0]  }
0x2: {  	s8 =	rddreg [dreg:$0x1]  }
0x3: {  	s1 =	rddreg [dreg:$0x2]  }
0x4: {  	s2 =	rddreg [dreg:$0x3]  }
0x5: {  	s9 =	rddreg [dreg:$0x4];
	s3 =	srdreg.scid  }
0x6: {  	s0 =	rddreg [dreg:$0x5];
	s4 =	simm.s32 $0x0;
	s15 =	simm.s32 $0x9250  }
0x7: {  	s16 =	simm.s32 $0x1;
	s18 =	simm.s32 $0x2;
	s19 =	simm.s32 $0x0  }
0x8: {  	s7 =	sand.u32 $0x1, s3;
	s3 =	stileid.u32;
	[smem:$0x7FF] =	sst s4  }
0x9: {  	s5 =	sshll.u32 s7, $0x4;
	_ =	strace $0x80000047;
	s7 =	ssub.s32 $0x2, s7  }
0xa: {  	s17 =	sand.u32 $0x1, s3;
	s31 =	sshll.u32 s3, $0x4;
	s12 =	sor.u32 s3, s5  }
0xb: {  	s28 =	sshrl.u32 s7, $0x1;
	p2 =	seq.s32 s17, $0x0;
	p0 =	seq.s32 s17, $0x1  }
0xc: {  	vm0 =	vmxor vm0, vm0;
	s9 =	sadd.s32 s31, s9;
	s5 =	sshll.u32 s12, $0xC;
	s11 =	sadd.s32 s12, s6  }
0xd: {  	vm1 =	vmmov vm0;
	s13 =	sshll.u32 s12, $0x9;
	s14 =	ssub.s32 s7, s28;
	s30 =	sshll.u32 s12, $0x6  }
0xe: {  	p1 =	seq.s32 s12, $0x0;
	vm1 =	vmneg @p2 vm1;
	s12 =	simm.s32 $0x8010;
	p2 =	sne.s32 s17, $0x0  }
0xf: {  	s17 =	simm.s32 $0x9290;
	s10 =	sadd.s32 s5, s6;
	s5 =	sadd.s32 $0x20C00, s6  }
0x10: {  	vm3 =	vmmov $0x1;
	v0 =	vlaneseq.u32;
	vm2 =	vmmov vm0;
	s29 =	sadd.s32 $0xFFFFFFF0, s13;
	s7 =	sadd.s32 s8, s30;
	s6 =	sadd.s32 $0xC00, s10  }
0x11: {  	vm2 =	vmneg @p0 vm2;
	vm1 =	vmand vm1, vm3;
	vm3 =	vcmask $0x3F3C;
	s13 =	sshrl.u32 s29, $0x3;
	s10 =	sadd.s32 $0x20E00, s11;
	s11 =	smax.u32 s14, $0x1  }
0x12: {  	v0 =	vmul.u32 $0x40, v0;
	s14 =	simm.s32 $0x9210;
	vm2 =	vmand vm2, vm3;
	vm3 =	vcmask $0x3F04;
	s8 =	sadd.s32 s8, s13;
	s13 =	simm.s32 $0x8210  }
.LBB2_1:
0x13: {  	[tilespmem:s4], [sflag:$0x1] =	stream.linear.gather [hbm4b:s6+s4], $0x8000, $0x38;
	[tilespmem:$0x92D0] =	vst v63  }
0x14: {  	_ = 	snop  }
0x15: {  	[tilespmem:s12], [sflag:$0x1] =	stream.linear.gather [hbm4b:s7+s4], $0x200, $0x38;
	[tilespmem:$0x92D0] =	vst v63  }
0x16: {  	_ = 	snop  }
0x17: {  	[tilespmem:s13], [sflag:$0x1] =	stream.linear.gather [hbm4b:s5+s4], $0x1000, $0x38;
	[tilespmem:$0x92D0] =	vst v63  }
0x18: {  	_ = 	snop  }
0x19: {  	[tilespmem:s14], [sflag:$0x1] =	stream.linear.gather [hbm4b:s1+s4], $0x40, $0x38;
	[tilespmem:$0x92D0] =	vst v63  }
0x1a: {  	_ = 	snop  }
0x1b: {  	v1 =	vimm.s32 @p1 $0x0;
	[tilespmem:s15], [sflag:$0x1] =	stream.linear.gather [hbm4b:s2+s4], $0x40, $0x38;
	[tilespmem:$0x92D0] =	vst v63  }
0x1c: {  	s20 =	simm.s32 @!p1 $0x0;
	s21 =	simm.s32 @!p1 $0x8000;
	[tilespmem:$0x8000] =	vst @p1 v1  }
0x1d: {  	[tilespmem:s21], [sflag:$0x2] =	stream.linear.gather @!p1 [hbm4b:s8+s20], $0x10, $0x38;
	[tilespmem:$0x92D0] =	vst v63  }
0x1e: {  	s20 =	simm.s32 @!p1 $0x2  }
0x1f: {  	_ =	swait.ge @!p1 [sflag:s20], $0x10  }
0x20: {  	[sflag:s20] =	ssyncset.done @!p1 $0x0  }
0x21: {  	[sflag:s20] =	ssyncadd.s32 @!p1 $0xFFFFFFF0  }
0x22: {  	_ =	swait.ge [sflag:s16], $0x8000  }
0x23: {  	[sflag:s16] =	ssyncset.done $0x0  }
0x24: {  	[sflag:s16] =	ssyncadd.s32 $0xFFFF8000  }
0x25: {  	_ =	swait.ge [sflag:s16], $0x200  }
0x26: {  	[sflag:s16] =	ssyncset.done $0x0  }
0x27: {  	[sflag:s16] =	ssyncadd.s32 $0xFFFFFE00  }
0x28: {  	_ =	swait.ge [sflag:s16], $0x1000  }
0x29: {  	[sflag:s16] =	ssyncset.done $0x0  }
0x2a: {  	[sflag:s16] =	ssyncadd.s32 $0xFFFFF000  }
0x2b: {  	_ =	swait.ge [sflag:s16], $0x40  }
0x2c: {  	[sflag:s16] =	ssyncset.done $0x0  }
0x2d: {  	[sflag:s16] =	ssyncadd.s32 $0xFFFFFFC0  }
0x2e: {  	_ =	swait.ge [sflag:s16], $0x40  }
0x2f: {  	[sflag:s16] =	ssyncset.done $0x0  }
0x30: {  	[sflag:s16] =	ssyncadd.s32 $0xFFFFFFC0  }
0x31: {  	v1 =	vld [tilespmem:s12+$0xFFFFFFFF]  }
0x32: {  	v2 =	vld [tilespmem:s12+$0x0];
	_ =	sdelay $0x1  }
0x33: {  	v3 =	vmov s4;
	p3 =	por $0x0, $0x0  }
0x34: {  	vm4 =	vmmov vm0;
	v3 =	vshll.u32 v3, $0x6;
	p3 =	por p0, p3  }
0x35: {  	s28 =	simm.s32 $0x8020;
	v3 =	vor.u32 v0, v3;
	vm4 =	vmneg @p3 vm4;
	v1 =	vshll.u32 v1, $0x6  }
0x36: {  	vm4 =	vmor vm4, vm3;
	v4 =	vld [tilespmem:s28+$0xFFFFFFFF];
	v3 =	vadd.s32 v3, v2;
	v1 =	vadd.s32 v2, v1  }
0x37: {  	v5 =	vld [tilespmem:s28+$0x0];
	v6 =	vnsel vm4, $0x0, v1  }
0x38: {  	s29 =	simm.s32 $0x10;
	p5 =	por $0x1, $0x1  }
0x39: {  	s30 =	simm.s32 $0x8030;
	vm5 =	vmmov vm0;
	p3 =	por p0, p5;
	v2 =	vmov s29  }
0x3a: {  	vm5 =	vmneg @p3 vm5;
	v7 =	vld [tilespmem:s30+$0xFFFFFFFF];
	v2 =	vshll.u32 v2, $0x6  }
0x3b: {  	vm6 =	vmor vm5, vm3;
	v4 =	vshll.u32 v4, $0x6;
	v8 =	vor.u32 v0, v2;
	v2 =	vld.idx.msk [tilespmem:v3+s4+$0x0], $0xffff  }
0x3c: {  	s31 =	simm.s32 $0x20;
	v4 =	vadd.s32 v5, v4;
	v1 =	vimm.f32 $0.0e+00;
	v5 =	vadd.s32 v8, v5;
	v3 =	vld.idx.msk [tilespmem:v6+s13+$0x0], $0xffff  }
0x3d: {  	p6 =	por $0x1, $0x1;
	vm4 =	vmmov vm4;
	v4 =	vnsel vm6, $0x0, v4;
	v8 =	vmov s31;
	v6 =	vld [tilespmem:s30+$0x0]  }
0x3e: {  	p4 =	por p0, p6;
	s21 =	simm.s32 $0x8040;
	s20 =	simm.s32 $0x30;
	vm5 =	vmmov vm4;
	vm4 =	vmmov vm6;
	v8 =	vshll.u32 v8, $0x6  }
.LBB2_2:
0x3f: {  	vm6 =	vmmov vm0  }
0x40: {  	v9 =	vld [tilespmem:s21+$0xFFFFFFFF];
	v8 =	vor.u32 v0, v8;
	s22 =	smov.u32 s20;
	p3 =	sne.s32 s20, $0x1F0;
	vm6 =	vmneg @p4 vm6  }
.Ltmp0:
0x41: {  	v7 =	vshll.u32 v7, $0x6;
	v1 =	vadd.f32 v2, v1;
	vm6 =	vmor vm6, vm3;
	v2 =	vld.idx.msk [tilespmem:v5+s4+$0x0], $0xffff;
	(pc) =	sbr.rel @p3 .LBB2_2-.Ltmp0, $4  }
0x42: {  	s20 =	sadd.s32 $0x10, s20;
	v5 =	vadd.s32 v8, v6;
	v7 =	vadd.s32 v6, v7;
	v8 =	vnsel vm5, $0x0, v3;
	v3 =	vld.idx.msk [tilespmem:v4+s13+$0x0], $0xffff  }
0x43: {  	vm5 =	vmmov vm4;
	v4 =	vnsel vm6, $0x0, v7;
	v1 =	vadd.f32 v8, v1;
	v6 =	vld [tilespmem:s21+$0x0]  }
0x44: {  	v10 =	vmov s22;
	p4 =	sne.s32 s22, $0x0;
	vm4 =	vmmov vm6  }
0x45: {  	p4 =	por p0, p4;
	v8 =	vshll.u32 v10, $0x6;
	s21 =	sadd.s32 $0x10, s21;
	v7 =	vmov v9  }
0x46: {  	_ =	sdelay $0x2  }
0x47: {  	vm6 =	vmmov vm0  }
0x48: {  	v8 =	vor.u32 v0, v8;
	v7 =	vshll.u32 v7, $0x6;
	v5 =	vld.idx.msk [tilespmem:v5+s4+$0x0], $0xffff;
	vm6 =	vmneg @p4 vm6  }
0x49: {  	v61 =	vld [tilespmem:$0x8010];
	vm6 =	vmor vm6, vm3;
	v8 =	vadd.s32 v8, v6;
	v60 =	vadd.s32 v6, v7  }
0x4a: {  	v4 =	vld.idx.msk [tilespmem:v4+s13+$0x0], $0xffff;
	v6 =	vnsel vm6, $0x0, v60  }
0x4b: {  	v1 =	vadd.f32 v2, v1;
	v2 =	vld [tilespmem:$0x8200]  }
0x4c: {  	v3 =	vnsel vm5, $0x0, v3  }
0x4d: {  	v1 =	vadd.f32 v3, v1  }
0x4e: {  	v3 =	vld.idx.msk [tilespmem:v8+s4+$0x0], $0xffff  }
0x4f: {  	vm4 =	vmmov vm4;
	v1 =	vadd.f32 v5, v1;
	v62 =	vld.idx.msk [tilespmem:v6+s13+$0x0], $0xffff  }
0x50: {  	v4 =	vnsel vm4, $0x0, v4  }
0x51: {  	v1 =	vadd.f32 v4, v1;
	v63 =	vld.idx.msk [tilespmem:v61+s14+$0x0], $0xffff  }
0x52: {  	vm4 =	vmmov vm6  }
0x53: {  	vm4 =	vmmov vm4;
	v2 =	vld.idx.msk [tilespmem:v2+s15+$0x0], $0xffff;
	v1 =	vadd.f32 v3, v1  }
0x54: {  	v3 =	vnsel vm4, $0x0, v62  }
0x55: {  	v1 =	vadd.f32 v3, v1  }
0x56: {  	v3 =	vnsel vm1, $0x0, v63  }
0x57: {  	v1 =	vadd.f32 v3, v1  }
0x58: {  	v2 =	vnsel vm2, $0x0, v2  }
0x59: {  	v1 =	vadd.f32 v2, v1;
	_ =	sdelay $0x1  }
0x5a: {  	[tilespmem:$0x9290] =	vst v1  }
0x5b: {  	[spmem:s9] =	stream.linear.scatter [tilespmem:s17], [sflag:$0x2], $0x10, $0x38;
	[tilespmem:$0x92D0] =	vst v63  }
0x5c: {  	_ =	swait.ge [sflag:s18], $0x10  }
0x5d: {  	[sflag:s18] =	ssyncset.done $0x0  }
0x5e: {  	[sflag:s18] =	ssyncadd.s32 $0xFFFFFFF0  }
0x5f: {  	s20 =	simm.s32 @!p2 $0x92A0;
	[bflag:$0x0] =	sbarrier.arrive $0xFFFF  }
0x60: {  	[tilespmem:s20], [sflag:$0x2] =	stream.linear.gather @!p2 [spmem:s9], $0x20, $0x38;
	[tilespmem:$0x92D0] =	vst v63  }
0x61: {  	s20 =	simm.s32 @!p2 $0x2  }
0x62: {  	_ =	swait.ge @!p2 [sflag:s20], $0x20  }
0x63: {  	[sflag:s20] =	ssyncset.done @!p2 $0x0  }
0x64: {  	[sflag:s20] =	ssyncadd.s32 @!p2 $0xFFFFFFE0  }
0x65: {  	v1 =	vld @!p2 [tilespmem:$0x92A0]  }
0x66: {  	v2 =	vld @!p2 [tilespmem:$0x92B0];
	_ =	sdelay $0x4  }
0x67: {  	v1 =	vadd.f32 @!p2 v2, v1;
	_ =	sdelay $0x1  }
0x68: {  	(xrf2) =	vadd.scan.msk.f32 @!p2 $0xffff, v1;
	_ =	sdelay $0x9  }
0x69: {  	v1, _, _ =	vpop @!p2 (xrf2)  }
0x6a: {  	s19 =	sadd.s32 $0x1, s19;
	v1 =	vbroadcast @!p2 v1, $0xF  }
0x6b: {  	p3 =	sne.s32 s19, s11  }
.Ltmp1:
0x6c: {  	s21 =	simm.s32 @!p2 $0x0;
	s22 =	simm.s32 @!p2 $0x9290;
	[tilespmem:$0x9290] =	vst @!p2 v1;
	(pc) =	sbr.rel @p3 .LBB2_1-.Ltmp1, $4  }
0x6d: {  	[hbm4b:s10+s21] =	stream.linear.scatter @!p2 [tilespmem:s22], [sflag:$0x2], $0x10, $0x38;
	[tilespmem:$0x92D0] =	vst v63  }
0x6e: {  	_ =	swait.ge @!p2 [sflag:s20], $0x10  }
0x6f: {  	[sflag:s20] =	ssyncset.done @!p2 $0x0  }
0x70: {  	[sflag:s20] =	ssyncadd.s32 @!p2 $0xFFFFFFF0  }
0x71: {  	_ =	sfence.sel $0x180000  }
0x72: {  	[bflag:$0x0] =	sbarrier.arrive $0xFFFF  }
0x73: {  	p0 =	sne.s32 s3, $0x0;
	_ =	strace $0x90000047  }
0x74: {  	s0 =	sadd.s32 @!p0 $0x100000, s0;
	[bflag:$0x2] =	sbarrier.arrive $0xFFFF  }
0x75: {  	[sflag:s0] =	ssyncadd.tile.s32 @!p0 $0x1;
	_ =	shalt  }
.Lfunc_end2:
_tile_overlayer_lowered:
.L_overlay_start_2:
0x76: {  	(tag) =	ssettag $0x2  }
0x77: {  	s0 =	rddreg [dreg:$0x0];
	s2 =	stileid.u32  }
0x78: {  	s1 =	rddreg [dreg:$0x1];
	p0 =	sne.s32 s2, $0x0  }
0x79: {  	s3 =	rddreg [dreg:$0x2];
	[bflag:$0x3] =	sbarrier.arrive $0xFFFF;
	s2 =	simm.s32 @!p0 $0x1C02  }
0x7a: {  	[timem:s3], [sflag:s2] =	dma.local @!p0 [hbm:s0], s1  }
0x7b: {  	s0 =	simm.s32 @!p0 $0x2  }
0x7c: {  	_ =	swait.ge @!p0 [sflag:s0], s1  }
0x7d: {  	s1 =	ssub.s32 @!p0 $0x0, s1;
	[sflag:s0] =	ssyncset.done @!p0 $0x0  }
0x7e: {  	[sflag:s0] =	ssyncadd.s32 @!p0 s1  }
0x7f: {  	[bflag:$0x3] =	sbarrier.arrive $0xFFFF  }
0x80: {  	_ =	shalt  }

</sc_bundles>
